<compile_context>
chip_gen: v7x
topology: tpu7x:2x2x1
jax: 0.10.2.dev20260603
libtpu: 0.0.44.dev20260713+nightly
codegen_flags: <defaults>
</compile_context>

<pallas_src>
import functools

import jax
import jax.numpy as jnp
from jax import lax
from jax.experimental import pallas as pl
from jax.experimental.pallas import tpu as pltpu
from jax.experimental.pallas import tpu_sc as plsc

B = 8
L_BPE = 2048
BPE_PER_WORD = 4
PH_PER_WORD = 2
N_WORDS = L_BPE // BPE_PER_WORD
NB = B * N_WORDS
D = 256
V_PH_PAD = 128

NC = 2
NS = 16
NW = NC * NS
CHUNK = 64

H = 1
NB_H = NB // H
ROWS_H = BPE_PER_WORD * NB_H
NCHUNK = ROWS_H // NW // CHUNK

WB = 1024
GRID = NB_H // WB


def _sc_gather(idx, table):
    mesh = plsc.VectorSubcoreMesh(core_axis_name="c", subcore_axis_name="s")
    nbuf = min(6, NCHUNK)

    @functools.partial(
        pl.kernel,
        mesh=mesh,
        out_type=jax.ShapeDtypeStruct((ROWS_H, D), jnp.float32),
        scratch_types=(
            [pltpu.VMEM((NCHUNK, CHUNK), jnp.int32)]
            + [pltpu.VMEM((CHUNK, D), jnp.float32)] * nbuf
            + [pltpu.SemaphoreType.DMA] * (2 * nbuf)
        ),
    )
    def k(idx_hbm, table_hbm, out_hbm, idx_v, *rest):
        bufs = rest[:nbuf]
        gsems = rest[nbuf:2 * nbuf]
        osems = rest[2 * nbuf:]
        wid = lax.axis_index("s") * NC + lax.axis_index("c")
        base = wid * (NCHUNK * CHUNK)
        pltpu.sync_copy(idx_hbm.at[wid], idx_v)
        gathers = [None] * NCHUNK
        outs = [None] * NCHUNK
        waited_out = [False] * NCHUNK
        for c in range(min(nbuf - 1, NCHUNK)):
            gathers[c] = pltpu.async_copy(table_hbm.at[idx_v.at[c]], bufs[c % nbuf], gsems[c % nbuf])
        for c in range(NCHUNK):
            gathers[c].wait()
            outs[c] = pltpu.async_copy(
                bufs[c % nbuf], out_hbm.at[pl.ds(base + c * CHUNK, CHUNK)],
                osems[c % nbuf]
            )
            nxt = c + nbuf - 1
            if nxt < NCHUNK:
                if c >= 1:
                    outs[c - 1].wait()
                    waited_out[c - 1] = True
                gathers[nxt] = pltpu.async_copy(
                    table_hbm.at[idx_v.at[nxt]], bufs[nxt % nbuf], gsems[nxt % nbuf]
                )
        for c in range(NCHUNK):
            if not waited_out[c]:
                outs[c].wait()

    return k(idx, table)


_PREC = lax.Precision.DEFAULT


def _dot(a, b):
    return jnp.dot(a, b, preferred_element_type=jnp.float32, precision=_PREC)


_G1 = -2.0 * 0.7978845608028654 * 1.4426950408889634
_G3 = _G1 * 0.044715


def _gelu(x):
    x2 = x * x
    e = jnp.exp2(x * (_G1 + _G3 * x2))
    return x * lax.reciprocal(1.0 + e)


def _tc_body(g_ref, id0_ref, id1_ref, pht_ref, wph_ref, wbpe_ref, wtext_ref,
             out_ref, p2_ref):
    @pl.when(pl.program_id(0) == 0)
    def _():
        p2_ref[...] = _dot(_gelu(_dot(pht_ref[...], wph_ref[...])), wtext_ref[...])

    wbpe = wbpe_ref[...]
    acc = _gelu(_dot(g_ref[0], wbpe))
    for j in range(1, BPE_PER_WORD):
        acc = acc + _gelu(_dot(g_ref[j], wbpe))
    bm2 = _dot(acc * (1.0 / BPE_PER_WORD), wtext_ref[...])

    iota = lax.broadcasted_iota(jnp.int32, (WB, V_PH_PAD), 1)
    p2 = p2_ref[...]
    out = None
    for id_ref in (id0_ref, id1_ref):
        ids = jnp.broadcast_to(id_ref[...], (WB, V_PH_PAD))
        oh = (ids == iota).astype(jnp.float32)
        t = _gelu(_dot(oh, p2) + bm2)
        out = t if out is None else out + t
    out_ref[...] = out * (1.0 / PH_PER_WORD)


def _tc_fused(gathered, ids0, ids1, ph_table_pad, W_ph, W_bpe, W_text):
    full = lambda shape: pl.BlockSpec(shape, lambda i: tuple(0 for _ in shape))
    return pl.pallas_call(
        _tc_body,
        grid=(GRID,),
        in_specs=[
            pl.BlockSpec((BPE_PER_WORD, WB, D), lambda i: (0, i, 0)),
            pl.BlockSpec((WB, 1), lambda i: (i, 0)),
            pl.BlockSpec((WB, 1), lambda i: (i, 0)),
            full((V_PH_PAD, D)),
            full((D, D)),
            full((D, D)),
            full((D, D)),
        ],
        out_specs=pl.BlockSpec((WB, D), lambda i: (i, 0)),
        out_shape=jax.ShapeDtypeStruct((NB_H, D), jnp.float32),
        scratch_shapes=[pltpu.VMEM((V_PH_PAD, D), jnp.float32)],
    )(gathered, ids0, ids1, ph_table_pad, W_ph, W_bpe, W_text)


def kernel(bpe_ids, phoneme_ids, bpe_table, ph_table, W_bpe, W_ph, W_text):
    idx = bpe_ids.reshape(B, N_WORDS, BPE_PER_WORD).transpose(2, 0, 1)
    idx = idx.reshape(BPE_PER_WORD, H, NB_H).transpose(1, 0, 2)
    idx = idx.reshape(H, NW, NCHUNK, CHUNK)

    ph = phoneme_ids.reshape(B, N_WORDS, PH_PER_WORD)
    ids0 = ph[:, :, 0].reshape(NB, 1)
    ids1 = ph[:, :, 1].reshape(NB, 1)

    ph_table_pad = jnp.zeros((V_PH_PAD, D), jnp.float32).at[:ph_table.shape[0]].set(ph_table)

    gathered = [
        _sc_gather(idx[h], bpe_table).reshape(BPE_PER_WORD, NB_H, D)
        for h in range(H)
    ]
    outs = [
        _tc_fused(
            gathered[h],
            lax.dynamic_slice_in_dim(ids0, h * NB_H, NB_H),
            lax.dynamic_slice_in_dim(ids1, h * NB_H, NB_H),
            ph_table_pad, W_ph, W_bpe, W_text,
        )
        for h in range(H)
    ]
    return jnp.concatenate(outs, axis=0) if H > 1 else outs[0]

# --- scband reference (transcript-rebuilt; emitter-appended) ---
"""Pipeline reference for scband-super-claptrainer-17274358464549 (READ-ONLY COPY).

The authoritative reference and input builder live on the scoring server;
editing this copy changes nothing except your own understanding.
"""

import jax, jax.numpy as jnp
import numpy as np

B = 8
L_BPE = 2048
BPE_PER_WORD = 4
PH_PER_WORD = 2
N_WORDS = L_BPE // BPE_PER_WORD  # 512 words per sequence
L_PH = N_WORDS * PH_PER_WORD     # 1024 phonemes per sequence
D = 256
V_BPE = 50000
V_PH = 100


def setup_inputs(seed: int = 0) -> dict:
    key = jax.random.key(seed)
    ks = jax.random.split(key, 7)
    return {
        "bpe_ids": jax.random.randint(ks[0], (B, L_BPE), 0, V_BPE, dtype=jnp.int64 if jax.config.jax_enable_x64 else jnp.int32).astype(jnp.int32),
        "phoneme_ids": jax.random.randint(ks[1], (B, L_PH), 0, V_PH).astype(jnp.int32),
        "bpe_table": jax.random.normal(ks[2], (V_BPE, D), dtype=jnp.float32) * 0.02,
        "ph_table": jax.random.normal(ks[3], (V_PH, D), dtype=jnp.float32) * 0.02,
        "W_bpe": jax.random.normal(ks[4], (D, D), dtype=jnp.float32) * (1.0 / np.sqrt(D)),
        "W_ph": jax.random.normal(ks[5], (D, D), dtype=jnp.float32) * (1.0 / np.sqrt(D)),
        "W_text": jax.random.normal(ks[6], (D, D), dtype=jnp.float32) * (1.0 / np.sqrt(D)),
    }


def reference(bpe_ids, phoneme_ids, bpe_table, ph_table, W_bpe, W_ph, W_text):
    # bpe_encoder: embedding lookup (gather) + projection + nonlinearity
    bpe_emb = jnp.take(bpe_table, bpe_ids, axis=0)            # [B, L_BPE, D]
    bpe_out = jax.nn.gelu(bpe_emb @ W_bpe)                    # [B, L_BPE, D]

    # phoneme_encoder: embedding lookup + projection + nonlinearity
    ph_emb = jnp.take(ph_table, phoneme_ids, axis=0)          # [B, L_PH, D]
    ph_out = jax.nn.gelu(ph_emb @ W_ph)                       # [B, L_PH, D]

    # Word-span segment means over BPE outputs (fixed spans of BPE_PER_WORD)
    bpe_mean = bpe_out.reshape(B, N_WORDS, BPE_PER_WORD, D).mean(axis=2)  # [B, N_WORDS, D]

    # Phoneme values per word span (fixed spans of PH_PER_WORD)
    ph_words = ph_out.reshape(B, N_WORDS, PH_PER_WORD, D)     # [B, N_WORDS, PH_PER_WORD, D]

    # combined_values = phonemes_values + bpe_mean (broadcast over phoneme positions)
    combined = ph_words + bpe_mean[:, :, None, :]

    # Flatten all word collections across the batch -> text_pre_padded
    text_pre = combined.reshape(B * N_WORDS, PH_PER_WORD, D)  # [NB, T, D]

    # text_encoder + mean pooling over word-internal positions
    text_out = jax.nn.gelu(text_pre @ W_text)                 # [NB, T, D]
    text_embeddings = text_out.mean(axis=1)                   # [NB, D]
    return text_embeddings

if __name__ == "__main__":
    import jax
    _d = setup_inputs()
    print(jax.jit(kernel)(*tuple(_d.values())))

</pallas_src>

<mosaic_0001>
#map = affine_map<(d0, d1) -> (0, 0, 0)>
#map1 = affine_map<(d0, d1) -> (0, 0)>
module attributes {stable_mosaic.version = 14 : i64} {
  func.func @k(%arg0: i32, %arg1: i32, %arg2: memref<32x8x64xi32, #tpu.memory_space<hbm>>, %arg3: memref<50000x256xf32, #tpu.memory_space<hbm>>, %arg4: memref<16384x256xf32, #tpu.memory_space<hbm>>, %arg5: memref<8x64xi32, #tpu.memory_space<vmem>>, %arg6: memref<64x256xf32, #tpu.memory_space<vmem>>, %arg7: memref<64x256xf32, #tpu.memory_space<vmem>>, %arg8: memref<64x256xf32, #tpu.memory_space<vmem>>, %arg9: memref<64x256xf32, #tpu.memory_space<vmem>>, %arg10: memref<64x256xf32, #tpu.memory_space<vmem>>, %arg11: memref<64x256xf32, #tpu.memory_space<vmem>>, %arg12: memref<!tpu.dma_semaphore, #tpu.memory_space<semaphore_mem>>, %arg13: memref<!tpu.dma_semaphore, #tpu.memory_space<semaphore_mem>>, %arg14: memref<!tpu.dma_semaphore, #tpu.memory_space<semaphore_mem>>, %arg15: memref<!tpu.dma_semaphore, #tpu.memory_space<semaphore_mem>>, %arg16: memref<!tpu.dma_semaphore, #tpu.memory_space<semaphore_mem>>, %arg17: memref<!tpu.dma_semaphore, #tpu.memory_space<semaphore_mem>>, %arg18: memref<!tpu.dma_semaphore, #tpu.memory_space<semaphore_mem>>, %arg19: memref<!tpu.dma_semaphore, #tpu.memory_space<semaphore_mem>>, %arg20: memref<!tpu.dma_semaphore, #tpu.memory_space<semaphore_mem>>, %arg21: memref<!tpu.dma_semaphore, #tpu.memory_space<semaphore_mem>>, %arg22: memref<!tpu.dma_semaphore, #tpu.memory_space<semaphore_mem>>, %arg23: memref<!tpu.dma_semaphore, #tpu.memory_space<semaphore_mem>>) attributes {dimension_semantics = [#tpu.dimension_semantics<core_parallel>, #tpu.dimension_semantics<subcore_parallel>], iteration_bounds = array<i64: 2, 16>, scalar_prefetch = 0 : i64, scratch_operands = 19 : i64, tpu.core_type = #tpu.core_type<sc_vector_subcore>, window_params = [{transform_indices = #map}, {transform_indices = #map1}, {transform_indices = #map1}]} {
    %mul3A = arith.constant 2 : i32
    %mul3A_0 = arith.muli %arg1, %mul3A : i32
    %add3A = arith.addi %mul3A_0, %arg0 : i32
    %mul3A_1 = arith.constant 512 : i32
    %mul3A_2 = arith.muli %add3A, %mul3A_1 : i32
    "tpu.region"() ({
      %run_scoped3A = tpu.sem_alloc : memref<!tpu.dma_semaphore, #tpu.memory_space<semaphore_mem>>
      %dma_start3A_193 = arith.constant 0 : i32
      %dma_start3A_194 = arith.constant 0 : i32
      %dma_start3A_195 = tpu.memref_slice %arg2[%add3A, %dma_start3A_193, %dma_start3A_194] : memref<32x8x64xi32, #tpu.memory_space<hbm>> -> memref<1x8x64xi32, #tpu.memory_space<hbm>>
      %dma_start3A_196 = tpu.memref_squeeze %dma_start3A_195 : memref<1x8x64xi32, #tpu.memory_space<hbm>> -> memref<8x64xi32, #tpu.memory_space<hbm>>
      %dma_start3A_197 = arith.constant 0 : i32
      %dma_start3A_198 = arith.constant 0 : i32
      %dma_start3A_199 = tpu.memref_slice %arg2[%add3A, %dma_start3A_197, %dma_start3A_198] : memref<32x8x64xi32, #tpu.memory_space<hbm>> -> memref<1x8x64xi32, #tpu.memory_space<hbm>>
      %dma_start3A_200 = tpu.memref_squeeze %dma_start3A_199 : memref<1x8x64xi32, #tpu.memory_space<hbm>> -> memref<8x64xi32, #tpu.memory_space<hbm>>
      tpu.enqueue_dma source(%dma_start3A_200 : memref<8x64xi32, #tpu.memory_space<hbm>>) target(%arg5 : memref<8x64xi32, #tpu.memory_space<vmem>>) target_semaphore(%run_scoped3A : memref<!tpu.dma_semaphore, #tpu.memory_space<semaphore_mem>>)
      %dma_wait3A_201 = arith.constant 0 : i32
      %dma_wait3A_202 = arith.constant 0 : i32
      %dma_wait3A_203 = tpu.memref_slice %arg2[%add3A, %dma_wait3A_201, %dma_wait3A_202] : memref<32x8x64xi32, #tpu.memory_space<hbm>> -> memref<1x8x64xi32, #tpu.memory_space<hbm>>
      %dma_wait3A_204 = tpu.memref_squeeze %dma_wait3A_203 : memref<1x8x64xi32, #tpu.memory_space<hbm>> -> memref<8x64xi32, #tpu.memory_space<hbm>>
      %dma_wait3A_205 = arith.constant 0 : i32
      %dma_wait3A_206 = arith.constant 0 : i32
      %dma_wait3A_207 = tpu.memref_slice %arg2[%add3A, %dma_wait3A_205, %dma_wait3A_206] : memref<32x8x64xi32, #tpu.memory_space<hbm>> -> memref<1x8x64xi32, #tpu.memory_space<hbm>>
      %dma_wait3A_208 = tpu.memref_squeeze %dma_wait3A_207 : memref<1x8x64xi32, #tpu.memory_space<hbm>> -> memref<8x64xi32, #tpu.memory_space<hbm>>
      tpu.wait_dma2 semaphore(%run_scoped3A : memref<!tpu.dma_semaphore, #tpu.memory_space<semaphore_mem>>) src(%dma_wait3A_208 : memref<8x64xi32, #tpu.memory_space<hbm>>) dst(%arg5 : memref<8x64xi32, #tpu.memory_space<vmem>>)
      tpu.yield
    }) : () -> ()
    %dma_start3A = arith.constant 0 : i32
    %dma_start3A_3 = arith.constant 0 : i32
    %dma_start3A_4 = tpu.memref_slice %arg5[%dma_start3A, %dma_start3A_3] : memref<8x64xi32, #tpu.memory_space<vmem>> -> memref<1x64xi32, #tpu.memory_space<vmem>>
    %dma_start3A_5 = tpu.memref_squeeze %dma_start3A_4 : memref<1x64xi32, #tpu.memory_space<vmem>> -> memref<64xi32, #tpu.memory_space<vmem>>
    %dma_start3A_6 = arith.constant 0 : i32
    %dma_start3A_7 = arith.constant 0 : i32
    %dma_start3A_8 = tpu.memref_slice %arg3[%dma_start3A_6, %dma_start3A_7] : memref<50000x256xf32, #tpu.memory_space<hbm>> -> memref<50000x256xf32, #tpu.memory_space<hbm>>
    tpu.enqueue_indirect_dma source(%dma_start3A_8 : memref<50000x256xf32, #tpu.memory_space<hbm>>) target(%arg6 : memref<64x256xf32, #tpu.memory_space<vmem>>) offsets(%dma_start3A_5 : memref<64xi32, #tpu.memory_space<vmem>>) semaphore(%arg12 : memref<!tpu.dma_semaphore, #tpu.memory_space<semaphore_mem>>)
    %dma_start3A_9 = arith.constant 1 : i32
    %dma_start3A_10 = arith.constant 0 : i32
    %dma_start3A_11 = tpu.memref_slice %arg5[%dma_start3A_9, %dma_start3A_10] : memref<8x64xi32, #tpu.memory_space<vmem>> -> memref<1x64xi32, #tpu.memory_space<vmem>>
    %dma_start3A_12 = tpu.memref_squeeze %dma_start3A_11 : memref<1x64xi32, #tpu.memory_space<vmem>> -> memref<64xi32, #tpu.memory_space<vmem>>
    %dma_start3A_13 = arith.constant 0 : i32
    %dma_start3A_14 = arith.constant 0 : i32
    %dma_start3A_15 = tpu.memref_slice %arg3[%dma_start3A_13, %dma_start3A_14] : memref<50000x256xf32, #tpu.memory_space<hbm>> -> memref<50000x256xf32, #tpu.memory_space<hbm>>
    tpu.enqueue_indirect_dma source(%dma_start3A_15 : memref<50000x256xf32, #tpu.memory_space<hbm>>) target(%arg7 : memref<64x256xf32, #tpu.memory_space<vmem>>) offsets(%dma_start3A_12 : memref<64xi32, #tpu.memory_space<vmem>>) semaphore(%arg13 : memref<!tpu.dma_semaphore, #tpu.memory_space<semaphore_mem>>)
    %dma_start3A_16 = arith.constant 2 : i32
    %dma_start3A_17 = arith.constant 0 : i32
    %dma_start3A_18 = tpu.memref_slice %arg5[%dma_start3A_16, %dma_start3A_17] : memref<8x64xi32, #tpu.memory_space<vmem>> -> memref<1x64xi32, #tpu.memory_space<vmem>>
    %dma_start3A_19 = tpu.memref_squeeze %dma_start3A_18 : memref<1x64xi32, #tpu.memory_space<vmem>> -> memref<64xi32, #tpu.memory_space<vmem>>
    %dma_start3A_20 = arith.constant 0 : i32
    %dma_start3A_21 = arith.constant 0 : i32
    %dma_start3A_22 = tpu.memref_slice %arg3[%dma_start3A_20, %dma_start3A_21] : memref<50000x256xf32, #tpu.memory_space<hbm>> -> memref<50000x256xf32, #tpu.memory_space<hbm>>
    tpu.enqueue_indirect_dma source(%dma_start3A_22 : memref<50000x256xf32, #tpu.memory_space<hbm>>) target(%arg8 : memref<64x256xf32, #tpu.memory_space<vmem>>) offsets(%dma_start3A_19 : memref<64xi32, #tpu.memory_space<vmem>>) semaphore(%arg14 : memref<!tpu.dma_semaphore, #tpu.memory_space<semaphore_mem>>)
    %dma_start3A_23 = arith.constant 3 : i32
    %dma_start3A_24 = arith.constant 0 : i32
    %dma_start3A_25 = tpu.memref_slice %arg5[%dma_start3A_23, %dma_start3A_24] : memref<8x64xi32, #tpu.memory_space<vmem>> -> memref<1x64xi32, #tpu.memory_space<vmem>>
    %dma_start3A_26 = tpu.memref_squeeze %dma_start3A_25 : memref<1x64xi32, #tpu.memory_space<vmem>> -> memref<64xi32, #tpu.memory_space<vmem>>
    %dma_start3A_27 = arith.constant 0 : i32
    %dma_start3A_28 = arith.constant 0 : i32
    %dma_start3A_29 = tpu.memref_slice %arg3[%dma_start3A_27, %dma_start3A_28] : memref<50000x256xf32, #tpu.memory_space<hbm>> -> memref<50000x256xf32, #tpu.memory_space<hbm>>
    tpu.enqueue_indirect_dma source(%dma_start3A_29 : memref<50000x256xf32, #tpu.memory_space<hbm>>) target(%arg9 : memref<64x256xf32, #tpu.memory_space<vmem>>) offsets(%dma_start3A_26 : memref<64xi32, #tpu.memory_space<vmem>>) semaphore(%arg15 : memref<!tpu.dma_semaphore, #tpu.memory_space<semaphore_mem>>)
    %dma_start3A_30 = arith.constant 4 : i32
    %dma_start3A_31 = arith.constant 0 : i32
    %dma_start3A_32 = tpu.memref_slice %arg5[%dma_start3A_30, %dma_start3A_31] : memref<8x64xi32, #tpu.memory_space<vmem>> -> memref<1x64xi32, #tpu.memory_space<vmem>>
    %dma_start3A_33 = tpu.memref_squeeze %dma_start3A_32 : memref<1x64xi32, #tpu.memory_space<vmem>> -> memref<64xi32, #tpu.memory_space<vmem>>
    %dma_start3A_34 = arith.constant 0 : i32
    %dma_start3A_35 = arith.constant 0 : i32
    %dma_start3A_36 = tpu.memref_slice %arg3[%dma_start3A_34, %dma_start3A_35] : memref<50000x256xf32, #tpu.memory_space<hbm>> -> memref<50000x256xf32, #tpu.memory_space<hbm>>
    tpu.enqueue_indirect_dma source(%dma_start3A_36 : memref<50000x256xf32, #tpu.memory_space<hbm>>) target(%arg10 : memref<64x256xf32, #tpu.memory_space<vmem>>) offsets(%dma_start3A_33 : memref<64xi32, #tpu.memory_space<vmem>>) semaphore(%arg16 : memref<!tpu.dma_semaphore, #tpu.memory_space<semaphore_mem>>)
    %dma_wait3A = arith.constant 0 : i32
    %dma_wait3A_37 = arith.constant 0 : i32
    %dma_wait3A_38 = tpu.memref_slice %arg5[%dma_wait3A, %dma_wait3A_37] : memref<8x64xi32, #tpu.memory_space<vmem>> -> memref<1x64xi32, #tpu.memory_space<vmem>>
    %dma_wait3A_39 = tpu.memref_squeeze %dma_wait3A_38 : memref<1x64xi32, #tpu.memory_space<vmem>> -> memref<64xi32, #tpu.memory_space<vmem>>
    %dma_wait3A_40 = arith.constant 0 : i32
    %dma_wait3A_41 = arith.constant 0 : i32
    %dma_wait3A_42 = tpu.memref_slice %arg3[%dma_wait3A_40, %dma_wait3A_41] : memref<50000x256xf32, #tpu.memory_space<hbm>> -> memref<50000x256xf32, #tpu.memory_space<hbm>>
    tpu.wait_indirect_dma semaphore(%arg12 : memref<!tpu.dma_semaphore, #tpu.memory_space<semaphore_mem>>) src(%dma_wait3A_42 : memref<50000x256xf32, #tpu.memory_space<hbm>>) dst(%arg6 : memref<64x256xf32, #tpu.memory_space<vmem>>)
    %add3A_43 = arith.constant 0 : i32
    %add3A_44 = arith.addi %mul3A_2, %add3A_43 : i32
    %dma_start3A_45 = arith.constant 0 : i32
    %dma_start3A_46 = tpu.memref_slice %arg4[%add3A_44, %dma_start3A_45] : memref<16384x256xf32, #tpu.memory_space<hbm>> -> memref<64x256xf32, #tpu.memory_space<hbm>>
    %dma_start3A_47 = arith.constant 0 : i32
    %dma_start3A_48 = tpu.memref_slice %arg4[%add3A_44, %dma_start3A_47] : memref<16384x256xf32, #tpu.memory_space<hbm>> -> memref<64x256xf32, #tpu.memory_space<hbm>>
    tpu.enqueue_dma source(%arg6 : memref<64x256xf32, #tpu.memory_space<vmem>>) target(%dma_start3A_48 : memref<64x256xf32, #tpu.memory_space<hbm>>) target_semaphore(%arg18 : memref<!tpu.dma_semaphore, #tpu.memory_space<semaphore_mem>>)
    %dma_start3A_49 = arith.constant 5 : i32
    %dma_start3A_50 = arith.constant 0 : i32
    %dma_start3A_51 = tpu.memref_slice %arg5[%dma_start3A_49, %dma_start3A_50] : memref<8x64xi32, #tpu.memory_space<vmem>> -> memref<1x64xi32, #tpu.memory_space<vmem>>
    %dma_start3A_52 = tpu.memref_squeeze %dma_start3A_51 : memref<1x64xi32, #tpu.memory_space<vmem>> -> memref<64xi32, #tpu.memory_space<vmem>>
    %dma_start3A_53 = arith.constant 0 : i32
    %dma_start3A_54 = arith.constant 0 : i32
    %dma_start3A_55 = tpu.memref_slice %arg3[%dma_start3A_53, %dma_start3A_54] : memref<50000x256xf32, #tpu.memory_space<hbm>> -> memref<50000x256xf32, #tpu.memory_space<hbm>>
    tpu.enqueue_indirect_dma source(%dma_start3A_55 : memref<50000x256xf32, #tpu.memory_space<hbm>>) target(%arg11 : memref<64x256xf32, #tpu.memory_space<vmem>>) offsets(%dma_start3A_52 : memref<64xi32, #tpu.memory_space<vmem>>) semaphore(%arg17 : memref<!tpu.dma_semaphore, #tpu.memory_space<semaphore_mem>>)
    %dma_wait3A_56 = arith.constant 1 : i32
    %dma_wait3A_57 = arith.constant 0 : i32
    %dma_wait3A_58 = tpu.memref_slice %arg5[%dma_wait3A_56, %dma_wait3A_57] : memref<8x64xi32, #tpu.memory_space<vmem>> -> memref<1x64xi32, #tpu.memory_space<vmem>>
    %dma_wait3A_59 = tpu.memref_squeeze %dma_wait3A_58 : memref<1x64xi32, #tpu.memory_space<vmem>> -> memref<64xi32, #tpu.memory_space<vmem>>
    %dma_wait3A_60 = arith.constant 0 : i32
    %dma_wait3A_61 = arith.constant 0 : i32
    %dma_wait3A_62 = tpu.memref_slice %arg3[%dma_wait3A_60, %dma_wait3A_61] : memref<50000x256xf32, #tpu.memory_space<hbm>> -> memref<50000x256xf32, #tpu.memory_space<hbm>>
    tpu.wait_indirect_dma semaphore(%arg13 : memref<!tpu.dma_semaphore, #tpu.memory_space<semaphore_mem>>) src(%dma_wait3A_62 : memref<50000x256xf32, #tpu.memory_space<hbm>>) dst(%arg7 : memref<64x256xf32, #tpu.memory_space<vmem>>)
    %add3A_63 = arith.constant 64 : i32
    %add3A_64 = arith.addi %mul3A_2, %add3A_63 : i32
    %dma_start3A_65 = arith.constant 0 : i32
    %dma_start3A_66 = tpu.memref_slice %arg4[%add3A_64, %dma_start3A_65] : memref<16384x256xf32, #tpu.memory_space<hbm>> -> memref<64x256xf32, #tpu.memory_space<hbm>>
    %dma_start3A_67 = arith.constant 0 : i32
    %dma_start3A_68 = tpu.memref_slice %arg4[%add3A_64, %dma_start3A_67] : memref<16384x256xf32, #tpu.memory_space<hbm>> -> memref<64x256xf32, #tpu.memory_space<hbm>>
    tpu.enqueue_dma source(%arg7 : memref<64x256xf32, #tpu.memory_space<vmem>>) target(%dma_start3A_68 : memref<64x256xf32, #tpu.memory_space<hbm>>) target_semaphore(%arg19 : memref<!tpu.dma_semaphore, #tpu.memory_space<semaphore_mem>>)
    %dma_wait3A_69 = arith.constant 0 : i32
    %dma_wait3A_70 = tpu.memref_slice %arg4[%add3A_44, %dma_wait3A_69] : memref<16384x256xf32, #tpu.memory_space<hbm>> -> memref<64x256xf32, #tpu.memory_space<hbm>>
    %dma_wait3A_71 = arith.constant 0 : i32
    %dma_wait3A_72 = tpu.memref_slice %arg4[%add3A_44, %dma_wait3A_71] : memref<16384x256xf32, #tpu.memory_space<hbm>> -> memref<64x256xf32, #tpu.memory_space<hbm>>
    tpu.wait_dma2 semaphore(%arg18 : memref<!tpu.dma_semaphore, #tpu.memory_space<semaphore_mem>>) src(%arg6 : memref<64x256xf32, #tpu.memory_space<vmem>>) dst(%dma_wait3A_72 : memref<64x256xf32, #tpu.memory_space<hbm>>)
    %dma_start3A_73 = arith.constant 6 : i32
    %dma_start3A_74 = arith.constant 0 : i32
    %dma_start3A_75 = tpu.memref_slice %arg5[%dma_start3A_73, %dma_start3A_74] : memref<8x64xi32, #tpu.memory_space<vmem>> -> memref<1x64xi32, #tpu.memory_space<vmem>>
    %dma_start3A_76 = tpu.memref_squeeze %dma_start3A_75 : memref<1x64xi32, #tpu.memory_space<vmem>> -> memref<64xi32, #tpu.memory_space<vmem>>
    %dma_start3A_77 = arith.constant 0 : i32
    %dma_start3A_78 = arith.constant 0 : i32
    %dma_start3A_79 = tpu.memref_slice %arg3[%dma_start3A_77, %dma_start3A_78] : memref<50000x256xf32, #tpu.memory_space<hbm>> -> memref<50000x256xf32, #tpu.memory_space<hbm>>
    tpu.enqueue_indirect_dma source(%dma_start3A_79 : memref<50000x256xf32, #tpu.memory_space<hbm>>) target(%arg6 : memref<64x256xf32, #tpu.memory_space<vmem>>) offsets(%dma_start3A_76 : memref<64xi32, #tpu.memory_space<vmem>>) semaphore(%arg12 : memref<!tpu.dma_semaphore, #tpu.memory_space<semaphore_mem>>)
    %dma_wait3A_80 = arith.constant 2 : i32
    %dma_wait3A_81 = arith.constant 0 : i32
    %dma_wait3A_82 = tpu.memref_slice %arg5[%dma_wait3A_80, %dma_wait3A_81] : memref<8x64xi32, #tpu.memory_space<vmem>> -> memref<1x64xi32, #tpu.memory_space<vmem>>
    %dma_wait3A_83 = tpu.memref_squeeze %dma_wait3A_82 : memref<1x64xi32, #tpu.memory_space<vmem>> -> memref<64xi32, #tpu.memory_space<vmem>>
    %dma_wait3A_84 = arith.constant 0 : i32
    %dma_wait3A_85 = arith.constant 0 : i32
    %dma_wait3A_86 = tpu.memref_slice %arg3[%dma_wait3A_84, %dma_wait3A_85] : memref<50000x256xf32, #tpu.memory_space<hbm>> -> memref<50000x256xf32, #tpu.memory_space<hbm>>
    tpu.wait_indirect_dma semaphore(%arg14 : memref<!tpu.dma_semaphore, #tpu.memory_space<semaphore_mem>>) src(%dma_wait3A_86 : memref<50000x256xf32, #tpu.memory_space<hbm>>) dst(%arg8 : memref<64x256xf32, #tpu.memory_space<vmem>>)
    %add3A_87 = arith.constant 128 : i32
    %add3A_88 = arith.addi %mul3A_2, %add3A_87 : i32
    %dma_start3A_89 = arith.constant 0 : i32
    %dma_start3A_90 = tpu.memref_slice %arg4[%add3A_88, %dma_start3A_89] : memref<16384x256xf32, #tpu.memory_space<hbm>> -> memref<64x256xf32, #tpu.memory_space<hbm>>
    %dma_start3A_91 = arith.constant 0 : i32
    %dma_start3A_92 = tpu.memref_slice %arg4[%add3A_88, %dma_start3A_91] : memref<16384x256xf32, #tpu.memory_space<hbm>> -> memref<64x256xf32, #tpu.memory_space<hbm>>
    tpu.enqueue_dma source(%arg8 : memref<64x256xf32, #tpu.memory_space<vmem>>) target(%dma_start3A_92 : memref<64x256xf32, #tpu.memory_space<hbm>>) target_semaphore(%arg20 : memref<!tpu.dma_semaphore, #tpu.memory_space<semaphore_mem>>)
    %dma_wait3A_93 = arith.constant 0 : i32
    %dma_wait3A_94 = tpu.memref_slice %arg4[%add3A_64, %dma_wait3A_93] : memref<16384x256xf32, #tpu.memory_space<hbm>> -> memref<64x256xf32, #tpu.memory_space<hbm>>
    %dma_wait3A_95 = arith.constant 0 : i32
    %dma_wait3A_96 = tpu.memref_slice %arg4[%add3A_64, %dma_wait3A_95] : memref<16384x256xf32, #tpu.memory_space<hbm>> -> memref<64x256xf32, #tpu.memory_space<hbm>>
    tpu.wait_dma2 semaphore(%arg19 : memref<!tpu.dma_semaphore, #tpu.memory_space<semaphore_mem>>) src(%arg7 : memref<64x256xf32, #tpu.memory_space<vmem>>) dst(%dma_wait3A_96 : memref<64x256xf32, #tpu.memory_space<hbm>>)
    %dma_start3A_97 = arith.constant 7 : i32
    %dma_start3A_98 = arith.constant 0 : i32
    %dma_start3A_99 = tpu.memref_slice %arg5[%dma_start3A_97, %dma_start3A_98] : memref<8x64xi32, #tpu.memory_space<vmem>> -> memref<1x64xi32, #tpu.memory_space<vmem>>
    %dma_start3A_100 = tpu.memref_squeeze %dma_start3A_99 : memref<1x64xi32, #tpu.memory_space<vmem>> -> memref<64xi32, #tpu.memory_space<vmem>>
    %dma_start3A_101 = arith.constant 0 : i32
    %dma_start3A_102 = arith.constant 0 : i32
    %dma_start3A_103 = tpu.memref_slice %arg3[%dma_start3A_101, %dma_start3A_102] : memref<50000x256xf32, #tpu.memory_space<hbm>> -> memref<50000x256xf32, #tpu.memory_space<hbm>>
    tpu.enqueue_indirect_dma source(%dma_start3A_103 : memref<50000x256xf32, #tpu.memory_space<hbm>>) target(%arg7 : memref<64x256xf32, #tpu.memory_space<vmem>>) offsets(%dma_start3A_100 : memref<64xi32, #tpu.memory_space<vmem>>) semaphore(%arg13 : memref<!tpu.dma_semaphore, #tpu.memory_space<semaphore_mem>>)
    %dma_wait3A_104 = arith.constant 3 : i32
    %dma_wait3A_105 = arith.constant 0 : i32
    %dma_wait3A_106 = tpu.memref_slice %arg5[%dma_wait3A_104, %dma_wait3A_105] : memref<8x64xi32, #tpu.memory_space<vmem>> -> memref<1x64xi32, #tpu.memory_space<vmem>>
    %dma_wait3A_107 = tpu.memref_squeeze %dma_wait3A_106 : memref<1x64xi32, #tpu.memory_space<vmem>> -> memref<64xi32, #tpu.memory_space<vmem>>
    %dma_wait3A_108 = arith.constant 0 : i32
    %dma_wait3A_109 = arith.constant 0 : i32
    %dma_wait3A_110 = tpu.memref_slice %arg3[%dma_wait3A_108, %dma_wait3A_109] : memref<50000x256xf32, #tpu.memory_space<hbm>> -> memref<50000x256xf32, #tpu.memory_space<hbm>>
    tpu.wait_indirect_dma semaphore(%arg15 : memref<!tpu.dma_semaphore, #tpu.memory_space<semaphore_mem>>) src(%dma_wait3A_110 : memref<50000x256xf32, #tpu.memory_space<hbm>>) dst(%arg9 : memref<64x256xf32, #tpu.memory_space<vmem>>)
    %add3A_111 = arith.constant 192 : i32
    %add3A_112 = arith.addi %mul3A_2, %add3A_111 : i32
    %dma_start3A_113 = arith.constant 0 : i32
    %dma_start3A_114 = tpu.memref_slice %arg4[%add3A_112, %dma_start3A_113] : memref<16384x256xf32, #tpu.memory_space<hbm>> -> memref<64x256xf32, #tpu.memory_space<hbm>>
    %dma_start3A_115 = arith.constant 0 : i32
    %dma_start3A_116 = tpu.memref_slice %arg4[%add3A_112, %dma_start3A_115] : memref<16384x256xf32, #tpu.memory_space<hbm>> -> memref<64x256xf32, #tpu.memory_space<hbm>>
    tpu.enqueue_dma source(%arg9 : memref<64x256xf32, #tpu.memory_space<vmem>>) target(%dma_start3A_116 : memref<64x256xf32, #tpu.memory_space<hbm>>) target_semaphore(%arg21 : memref<!tpu.dma_semaphore, #tpu.memory_space<semaphore_mem>>)
    %dma_wait3A_117 = arith.constant 4 : i32
    %dma_wait3A_118 = arith.constant 0 : i32
    %dma_wait3A_119 = tpu.memref_slice %arg5[%dma_wait3A_117, %dma_wait3A_118] : memref<8x64xi32, #tpu.memory_space<vmem>> -> memref<1x64xi32, #tpu.memory_space<vmem>>
    %dma_wait3A_120 = tpu.memref_squeeze %dma_wait3A_119 : memref<1x64xi32, #tpu.memory_space<vmem>> -> memref<64xi32, #tpu.memory_space<vmem>>
    %dma_wait3A_121 = arith.constant 0 : i32
    %dma_wait3A_122 = arith.constant 0 : i32
    %dma_wait3A_123 = tpu.memref_slice %arg3[%dma_wait3A_121, %dma_wait3A_122] : memref<50000x256xf32, #tpu.memory_space<hbm>> -> memref<50000x256xf32, #tpu.memory_space<hbm>>
    tpu.wait_indirect_dma semaphore(%arg16 : memref<!tpu.dma_semaphore, #tpu.memory_space<semaphore_mem>>) src(%dma_wait3A_123 : memref<50000x256xf32, #tpu.memory_space<hbm>>) dst(%arg10 : memref<64x256xf32, #tpu.memory_space<vmem>>)
    %add3A_124 = arith.constant 256 : i32
    %add3A_125 = arith.addi %mul3A_2, %add3A_124 : i32
    %dma_start3A_126 = arith.constant 0 : i32
    %dma_start3A_127 = tpu.memref_slice %arg4[%add3A_125, %dma_start3A_126] : memref<16384x256xf32, #tpu.memory_space<hbm>> -> memref<64x256xf32, #tpu.memory_space<hbm>>
    %dma_start3A_128 = arith.constant 0 : i32
    %dma_start3A_129 = tpu.memref_slice %arg4[%add3A_125, %dma_start3A_128] : memref<16384x256xf32, #tpu.memory_space<hbm>> -> memref<64x256xf32, #tpu.memory_space<hbm>>
    tpu.enqueue_dma source(%arg10 : memref<64x256xf32, #tpu.memory_space<vmem>>) target(%dma_start3A_129 : memref<64x256xf32, #tpu.memory_space<hbm>>) target_semaphore(%arg22 : memref<!tpu.dma_semaphore, #tpu.memory_space<semaphore_mem>>)
    %dma_wait3A_130 = arith.constant 5 : i32
    %dma_wait3A_131 = arith.constant 0 : i32
    %dma_wait3A_132 = tpu.memref_slice %arg5[%dma_wait3A_130, %dma_wait3A_131] : memref<8x64xi32, #tpu.memory_space<vmem>> -> memref<1x64xi32, #tpu.memory_space<vmem>>
    %dma_wait3A_133 = tpu.memref_squeeze %dma_wait3A_132 : memref<1x64xi32, #tpu.memory_space<vmem>> -> memref<64xi32, #tpu.memory_space<vmem>>
    %dma_wait3A_134 = arith.constant 0 : i32
    %dma_wait3A_135 = arith.constant 0 : i32
    %dma_wait3A_136 = tpu.memref_slice %arg3[%dma_wait3A_134, %dma_wait3A_135] : memref<50000x256xf32, #tpu.memory_space<hbm>> -> memref<50000x256xf32, #tpu.memory_space<hbm>>
    tpu.wait_indirect_dma semaphore(%arg17 : memref<!tpu.dma_semaphore, #tpu.memory_space<semaphore_mem>>) src(%dma_wait3A_136 : memref<50000x256xf32, #tpu.memory_space<hbm>>) dst(%arg11 : memref<64x256xf32, #tpu.memory_space<vmem>>)
    %add3A_137 = arith.constant 320 : i32
    %add3A_138 = arith.addi %mul3A_2, %add3A_137 : i32
    %dma_start3A_139 = arith.constant 0 : i32
    %dma_start3A_140 = tpu.memref_slice %arg4[%add3A_138, %dma_start3A_139] : memref<16384x256xf32, #tpu.memory_space<hbm>> -> memref<64x256xf32, #tpu.memory_space<hbm>>
    %dma_start3A_141 = arith.constant 0 : i32
    %dma_start3A_142 = tpu.memref_slice %arg4[%add3A_138, %dma_start3A_141] : memref<16384x256xf32, #tpu.memory_space<hbm>> -> memref<64x256xf32, #tpu.memory_space<hbm>>
    tpu.enqueue_dma source(%arg11 : memref<64x256xf32, #tpu.memory_space<vmem>>) target(%dma_start3A_142 : memref<64x256xf32, #tpu.memory_space<hbm>>) target_semaphore(%arg23 : memref<!tpu.dma_semaphore, #tpu.memory_space<semaphore_mem>>)
    %dma_wait3A_143 = arith.constant 6 : i32
    %dma_wait3A_144 = arith.constant 0 : i32
    %dma_wait3A_145 = tpu.memref_slice %arg5[%dma_wait3A_143, %dma_wait3A_144] : memref<8x64xi32, #tpu.memory_space<vmem>> -> memref<1x64xi32, #tpu.memory_space<vmem>>
    %dma_wait3A_146 = tpu.memref_squeeze %dma_wait3A_145 : memref<1x64xi32, #tpu.memory_space<vmem>> -> memref<64xi32, #tpu.memory_space<vmem>>
    %dma_wait3A_147 = arith.constant 0 : i32
    %dma_wait3A_148 = arith.constant 0 : i32
    %dma_wait3A_149 = tpu.memref_slice %arg3[%dma_wait3A_147, %dma_wait3A_148] : memref<50000x256xf32, #tpu.memory_space<hbm>> -> memref<50000x256xf32, #tpu.memory_space<hbm>>
    tpu.wait_indirect_dma semaphore(%arg12 : memref<!tpu.dma_semaphore, #tpu.memory_space<semaphore_mem>>) src(%dma_wait3A_149 : memref<50000x256xf32, #tpu.memory_space<hbm>>) dst(%arg6 : memref<64x256xf32, #tpu.memory_space<vmem>>)
    %add3A_150 = arith.constant 384 : i32
    %add3A_151 = arith.addi %mul3A_2, %add3A_150 : i32
    %dma_start3A_152 = arith.constant 0 : i32
    %dma_start3A_153 = tpu.memref_slice %arg4[%add3A_151, %dma_start3A_152] : memref<16384x256xf32, #tpu.memory_space<hbm>> -> memref<64x256xf32, #tpu.memory_space<hbm>>
    %dma_start3A_154 = arith.constant 0 : i32
    %dma_start3A_155 = tpu.memref_slice %arg4[%add3A_151, %dma_start3A_154] : memref<16384x256xf32, #tpu.memory_space<hbm>> -> memref<64x256xf32, #tpu.memory_space<hbm>>
    tpu.enqueue_dma source(%arg6 : memref<64x256xf32, #tpu.memory_space<vmem>>) target(%dma_start3A_155 : memref<64x256xf32, #tpu.memory_space<hbm>>) target_semaphore(%arg18 : memref<!tpu.dma_semaphore, #tpu.memory_space<semaphore_mem>>)
    %dma_wait3A_156 = arith.constant 7 : i32
    %dma_wait3A_157 = arith.constant 0 : i32
    %dma_wait3A_158 = tpu.memref_slice %arg5[%dma_wait3A_156, %dma_wait3A_157] : memref<8x64xi32, #tpu.memory_space<vmem>> -> memref<1x64xi32, #tpu.memory_space<vmem>>
    %dma_wait3A_159 = tpu.memref_squeeze %dma_wait3A_158 : memref<1x64xi32, #tpu.memory_space<vmem>> -> memref<64xi32, #tpu.memory_space<vmem>>
    %dma_wait3A_160 = arith.constant 0 : i32
    %dma_wait3A_161 = arith.constant 0 : i32
    %dma_wait3A_162 = tpu.memref_slice %arg3[%dma_wait3A_160, %dma_wait3A_161] : memref<50000x256xf32, #tpu.memory_space<hbm>> -> memref<50000x256xf32, #tpu.memory_space<hbm>>
    tpu.wait_indirect_dma semaphore(%arg13 : memref<!tpu.dma_semaphore, #tpu.memory_space<semaphore_mem>>) src(%dma_wait3A_162 : memref<50000x256xf32, #tpu.memory_space<hbm>>) dst(%arg7 : memref<64x256xf32, #tpu.memory_space<vmem>>)
    %add3A_163 = arith.constant 448 : i32
    %add3A_164 = arith.addi %mul3A_2, %add3A_163 : i32
    %dma_start3A_165 = arith.constant 0 : i32
    %dma_start3A_166 = tpu.memref_slice %arg4[%add3A_164, %dma_start3A_165] : memref<16384x256xf32, #tpu.memory_space<hbm>> -> memref<64x256xf32, #tpu.memory_space<hbm>>
    %dma_start3A_167 = arith.constant 0 : i32
    %dma_start3A_168 = tpu.memref_slice %arg4[%add3A_164, %dma_start3A_167] : memref<16384x256xf32, #tpu.memory_space<hbm>> -> memref<64x256xf32, #tpu.memory_space<hbm>>
    tpu.enqueue_dma source(%arg7 : memref<64x256xf32, #tpu.memory_space<vmem>>) target(%dma_start3A_168 : memref<64x256xf32, #tpu.memory_space<hbm>>) target_semaphore(%arg19 : memref<!tpu.dma_semaphore, #tpu.memory_space<semaphore_mem>>)
    %dma_wait3A_169 = arith.constant 0 : i32
    %dma_wait3A_170 = tpu.memref_slice %arg4[%add3A_88, %dma_wait3A_169] : memref<16384x256xf32, #tpu.memory_space<hbm>> -> memref<64x256xf32, #tpu.memory_space<hbm>>
    %dma_wait3A_171 = arith.constant 0 : i32
    %dma_wait3A_172 = tpu.memref_slice %arg4[%add3A_88, %dma_wait3A_171] : memref<16384x256xf32, #tpu.memory_space<hbm>> -> memref<64x256xf32, #tpu.memory_space<hbm>>
    tpu.wait_dma2 semaphore(%arg20 : memref<!tpu.dma_semaphore, #tpu.memory_space<semaphore_mem>>) src(%arg8 : memref<64x256xf32, #tpu.memory_space<vmem>>) dst(%dma_wait3A_172 : memref<64x256xf32, #tpu.memory_space<hbm>>)
    %dma_wait3A_173 = arith.constant 0 : i32
    %dma_wait3A_174 = tpu.memref_slice %arg4[%add3A_112, %dma_wait3A_173] : memref<16384x256xf32, #tpu.memory_space<hbm>> -> memref<64x256xf32, #tpu.memory_space<hbm>>
    %dma_wait3A_175 = arith.constant 0 : i32
    %dma_wait3A_176 = tpu.memref_slice %arg4[%add3A_112, %dma_wait3A_175] : memref<16384x256xf32, #tpu.memory_space<hbm>> -> memref<64x256xf32, #tpu.memory_space<hbm>>
    tpu.wait_dma2 semaphore(%arg21 : memref<!tpu.dma_semaphore, #tpu.memory_space<semaphore_mem>>) src(%arg9 : memref<64x256xf32, #tpu.memory_space<vmem>>) dst(%dma_wait3A_176 : memref<64x256xf32, #tpu.memory_space<hbm>>)
    %dma_wait3A_177 = arith.constant 0 : i32
    %dma_wait3A_178 = tpu.memref_slice %arg4[%add3A_125, %dma_wait3A_177] : memref<16384x256xf32, #tpu.memory_space<hbm>> -> memref<64x256xf32, #tpu.memory_space<hbm>>
    %dma_wait3A_179 = arith.constant 0 : i32
    %dma_wait3A_180 = tpu.memref_slice %arg4[%add3A_125, %dma_wait3A_179] : memref<16384x256xf32, #tpu.memory_space<hbm>> -> memref<64x256xf32, #tpu.memory_space<hbm>>
    tpu.wait_dma2 semaphore(%arg22 : memref<!tpu.dma_semaphore, #tpu.memory_space<semaphore_mem>>) src(%arg10 : memref<64x256xf32, #tpu.memory_space<vmem>>) dst(%dma_wait3A_180 : memref<64x256xf32, #tpu.memory_space<hbm>>)
    %dma_wait3A_181 = arith.constant 0 : i32
    %dma_wait3A_182 = tpu.memref_slice %arg4[%add3A_138, %dma_wait3A_181] : memref<16384x256xf32, #tpu.memory_space<hbm>> -> memref<64x256xf32, #tpu.memory_space<hbm>>
    %dma_wait3A_183 = arith.constant 0 : i32
    %dma_wait3A_184 = tpu.memref_slice %arg4[%add3A_138, %dma_wait3A_183] : memref<16384x256xf32, #tpu.memory_space<hbm>> -> memref<64x256xf32, #tpu.memory_space<hbm>>
    tpu.wait_dma2 semaphore(%arg23 : memref<!tpu.dma_semaphore, #tpu.memory_space<semaphore_mem>>) src(%arg11 : memref<64x256xf32, #tpu.memory_space<vmem>>) dst(%dma_wait3A_184 : memref<64x256xf32, #tpu.memory_space<hbm>>)
    %dma_wait3A_185 = arith.constant 0 : i32
    %dma_wait3A_186 = tpu.memref_slice %arg4[%add3A_151, %dma_wait3A_185] : memref<16384x256xf32, #tpu.memory_space<hbm>> -> memref<64x256xf32, #tpu.memory_space<hbm>>
    %dma_wait3A_187 = arith.constant 0 : i32
    %dma_wait3A_188 = tpu.memref_slice %arg4[%add3A_151, %dma_wait3A_187] : memref<16384x256xf32, #tpu.memory_space<hbm>> -> memref<64x256xf32, #tpu.memory_space<hbm>>
    tpu.wait_dma2 semaphore(%arg18 : memref<!tpu.dma_semaphore, #tpu.memory_space<semaphore_mem>>) src(%arg6 : memref<64x256xf32, #tpu.memory_space<vmem>>) dst(%dma_wait3A_188 : memref<64x256xf32, #tpu.memory_space<hbm>>)
    %dma_wait3A_189 = arith.constant 0 : i32
    %dma_wait3A_190 = tpu.memref_slice %arg4[%add3A_164, %dma_wait3A_189] : memref<16384x256xf32, #tpu.memory_space<hbm>> -> memref<64x256xf32, #tpu.memory_space<hbm>>
    %dma_wait3A_191 = arith.constant 0 : i32
    %dma_wait3A_192 = tpu.memref_slice %arg4[%add3A_164, %dma_wait3A_191] : memref<16384x256xf32, #tpu.memory_space<hbm>> -> memref<64x256xf32, #tpu.memory_space<hbm>>
    tpu.wait_dma2 semaphore(%arg19 : memref<!tpu.dma_semaphore, #tpu.memory_space<semaphore_mem>>) src(%arg7 : memref<64x256xf32, #tpu.memory_space<vmem>>) dst(%dma_wait3A_192 : memref<64x256xf32, #tpu.memory_space<hbm>>)
    return
  }
}

module attributes {stable_mosaic.version = 14 : i64} {
  func.func @_tc_body(%arg0: i32, %arg1: memref<4x1024x256xf32, #tpu.memory_space<vmem>>, %arg2: memref<1024x1xi32, #tpu.memory_space<vmem>>, %arg3: memref<1024x1xi32, #tpu.memory_space<vmem>>, %arg4: memref<128x256xf32, #tpu.memory_space<vmem>>, %arg5: memref<256x256xf32, #tpu.memory_space<vmem>>, %arg6: memref<256x256xf32, #tpu.memory_space<vmem>>, %arg7: memref<256x256xf32, #tpu.memory_space<vmem>>, %arg8: memref<1024x256xf32, #tpu.memory_space<vmem>>, %arg9: memref<128x256xf32, #tpu.memory_space<vmem>>) attributes {dimension_semantics = [#tpu.dimension_semantics<arbitrary>], iteration_bounds = array<i64: 4>, scalar_prefetch = 0 : i64, scratch_operands = 1 : i64, tpu.core_type = #tpu.core_type<tc>, window_params = [{transform_indices = @transform_0, window_bounds = array<i64: 4, 1024, 256>}, {transform_indices = @transform_1, window_bounds = array<i64: 1024, 1>}, {transform_indices = @transform_2, window_bounds = array<i64: 1024, 1>}, {pipeline_mode = #tpu.pipeline_mode<synchronous>, transform_indices = @transform_3, window_bounds = array<i64: 128, 256>}, {pipeline_mode = #tpu.pipeline_mode<synchronous>, transform_indices = @transform_4, window_bounds = array<i64: 256, 256>}, {pipeline_mode = #tpu.pipeline_mode<synchronous>, transform_indices = @transform_5, window_bounds = array<i64: 256, 256>}, {pipeline_mode = #tpu.pipeline_mode<synchronous>, transform_indices = @transform_6, window_bounds = array<i64: 256, 256>}, {transform_indices = @transform_7, window_bounds = array<i64: 1024, 256>}]} {
    %eq3A = arith.constant 0 : i32
    %eq3A_0 = arith.cmpi eq, %arg0, %eq3A : i32
    %convert_element_type3A = arith.extui %eq3A_0 : i1 to i32
    %cond3A = arith.constant 0 : i32
    %cond3A_1 = arith.cmpi ne, %convert_element_type3A, %cond3A : i32
    scf.if %cond3A_1 {
      %get3A_164 = arith.constant 0 : index
      %get3A_165 = arith.constant 0 : index
      %get3A_166 = vector.load %arg4[%get3A_164, %get3A_165] : memref<128x256xf32, #tpu.memory_space<vmem>>, vector<128x256xf32>
      %get3A_167 = arith.constant 0 : index
      %get3A_168 = arith.constant 0 : index
      %get3A_169 = vector.load %arg5[%get3A_167, %get3A_168] : memref<256x256xf32, #tpu.memory_space<vmem>>, vector<256x256xf32>
      %dot_general3A_170 = arith.constant dense<0.000000e+00> : vector<128x256xf32>
      %dot_general3A_171 = tpu.matmul %get3A_166, %get3A_169, %dot_general3A_170 {dimension_numbers = #tpu.dot_dimension_numbers<[1], [0], [0], [1], [0, 0, 1, 1], [], []>, transpose_lhs_hint = false} : vector<128x256xf32>, vector<256x256xf32>, vector<128x256xf32> -> vector<128x256xf32>
      %mul3A_172 = arith.mulf %dot_general3A_171, %dot_general3A_171 : vector<128x256xf32>
      %mul3A_173 = arith.constant -0.102943242 : f32
      %mul3A_174 = vector.broadcast %mul3A_173 : f32 to vector<128x256xf32>
      %mul3A_175 = arith.mulf %mul3A_174, %mul3A_172 : vector<128x256xf32>
      %add3A_176 = arith.constant -2.30220819 : f32
      %add3A_177 = vector.broadcast %add3A_176 : f32 to vector<128x256xf32>
      %add3A_178 = arith.addf %add3A_177, %mul3A_175 : vector<128x256xf32>
      %mul3A_179 = arith.mulf %dot_general3A_171, %add3A_178 : vector<128x256xf32>
      %exp23A_180 = math.exp2 %mul3A_179 : vector<128x256xf32>
      %add3A_181 = arith.constant 1.000000e+00 : f32
      %add3A_182 = vector.broadcast %add3A_181 : f32 to vector<128x256xf32>
      %add3A_183 = arith.addf %add3A_182, %exp23A_180 : vector<128x256xf32>
      %integer_pow3A_184 = arith.constant 1.000000e+00 : f32
      %integer_pow3A_185 = vector.broadcast %integer_pow3A_184 : f32 to vector<128x256xf32>
      %integer_pow3A_186 = arith.divf %integer_pow3A_185, %add3A_183 : vector<128x256xf32>
      %mul3A_187 = arith.mulf %dot_general3A_171, %integer_pow3A_186 : vector<128x256xf32>
      %get3A_188 = arith.constant 0 : index
      %get3A_189 = arith.constant 0 : index
      %get3A_190 = vector.load %arg7[%get3A_188, %get3A_189] : memref<256x256xf32, #tpu.memory_space<vmem>>, vector<256x256xf32>
      %dot_general3A_191 = arith.constant dense<0.000000e+00> : vector<128x256xf32>
      %dot_general3A_192 = tpu.matmul %mul3A_187, %get3A_190, %dot_general3A_191 {dimension_numbers = #tpu.dot_dimension_numbers<[1], [0], [0], [1], [0, 0, 1, 1], [], []>, transpose_lhs_hint = false} : vector<128x256xf32>, vector<256x256xf32>, vector<128x256xf32> -> vector<128x256xf32>
      %swap3A_193 = arith.constant 0 : index
      %swap3A_194 = arith.constant 0 : index
      %swap3A_195 = vector.load %arg9[%swap3A_193, %swap3A_194] : memref<128x256xf32, #tpu.memory_space<vmem>>, vector<128x256xf32>
      tpu.vector_store %arg9[%swap3A_193, %swap3A_194], %dot_general3A_192 {strides = array<i32>} : memref<128x256xf32, #tpu.memory_space<vmem>>, vector<128x256xf32>,
    } else {
    }
    %get3A = arith.constant 0 : index
    %get3A_2 = arith.constant 0 : index
    %get3A_3 = vector.load %arg6[%get3A, %get3A_2] : memref<256x256xf32, #tpu.memory_space<vmem>>, vector<256x256xf32>
    %get3A_4 = arith.constant 0 : index
    %get3A_5 = arith.constant 0 : index
    %get3A_6 = arith.constant 0 : index
    %get3A_7 = vector.load %arg1[%get3A_4, %get3A_5, %get3A_6] : memref<4x1024x256xf32, #tpu.memory_space<vmem>>, vector<1x1024x256xf32>
    %get3A_8 = vector.shape_cast %get3A_7 : vector<1x1024x256xf32> to vector<1024x256xf32>
    %dot_general3A = arith.constant dense<0.000000e+00> : vector<1024x256xf32>
    %dot_general3A_9 = tpu.matmul %get3A_8, %get3A_3, %dot_general3A {dimension_numbers = #tpu.dot_dimension_numbers<[1], [0], [0], [1], [0, 0, 1, 1], [], []>, transpose_lhs_hint = false} : vector<1024x256xf32>, vector<256x256xf32>, vector<1024x256xf32> -> vector<1024x256xf32>
    %mul3A = arith.mulf %dot_general3A_9, %dot_general3A_9 : vector<1024x256xf32>
    %mul3A_10 = arith.constant -0.102943242 : f32
    %mul3A_11 = vector.broadcast %mul3A_10 : f32 to vector<1024x256xf32>
    %mul3A_12 = arith.mulf %mul3A_11, %mul3A : vector<1024x256xf32>
    %add3A = arith.constant -2.30220819 : f32
    %add3A_13 = vector.broadcast %add3A : f32 to vector<1024x256xf32>
    %add3A_14 = arith.addf %add3A_13, %mul3A_12 : vector<1024x256xf32>
    %mul3A_15 = arith.mulf %dot_general3A_9, %add3A_14 : vector<1024x256xf32>
    %exp23A = math.exp2 %mul3A_15 : vector<1024x256xf32>
    %add3A_16 = arith.constant 1.000000e+00 : f32
    %add3A_17 = vector.broadcast %add3A_16 : f32 to vector<1024x256xf32>
    %add3A_18 = arith.addf %add3A_17, %exp23A : vector<1024x256xf32>
    %integer_pow3A = arith.constant 1.000000e+00 : f32
    %integer_pow3A_19 = vector.broadcast %integer_pow3A : f32 to vector<1024x256xf32>
    %integer_pow3A_20 = arith.divf %integer_pow3A_19, %add3A_18 : vector<1024x256xf32>
    %mul3A_21 = arith.mulf %dot_general3A_9, %integer_pow3A_20 : vector<1024x256xf32>
    %get3A_22 = arith.constant 1 : index
    %get3A_23 = arith.constant 0 : index
    %get3A_24 = arith.constant 0 : index
    %get3A_25 = vector.load %arg1[%get3A_22, %get3A_23, %get3A_24] : memref<4x1024x256xf32, #tpu.memory_space<vmem>>, vector<1x1024x256xf32>
    %get3A_26 = vector.shape_cast %get3A_25 : vector<1x1024x256xf32> to vector<1024x256xf32>
    %dot_general3A_27 = arith.constant dense<0.000000e+00> : vector<1024x256xf32>
    %dot_general3A_28 = tpu.matmul %get3A_26, %get3A_3, %dot_general3A_27 {dimension_numbers = #tpu.dot_dimension_numbers<[1], [0], [0], [1], [0, 0, 1, 1], [], []>, transpose_lhs_hint = false} : vector<1024x256xf32>, vector<256x256xf32>, vector<1024x256xf32> -> vector<1024x256xf32>
    %mul3A_29 = arith.mulf %dot_general3A_28, %dot_general3A_28 : vector<1024x256xf32>
    %mul3A_30 = arith.constant -0.102943242 : f32
    %mul3A_31 = vector.broadcast %mul3A_30 : f32 to vector<1024x256xf32>
    %mul3A_32 = arith.mulf %mul3A_31, %mul3A_29 : vector<1024x256xf32>
    %add3A_33 = arith.constant -2.30220819 : f32
    %add3A_34 = vector.broadcast %add3A_33 : f32 to vector<1024x256xf32>
    %add3A_35 = arith.addf %add3A_34, %mul3A_32 : vector<1024x256xf32>
    %mul3A_36 = arith.mulf %dot_general3A_28, %add3A_35 : vector<1024x256xf32>
    %exp23A_37 = math.exp2 %mul3A_36 : vector<1024x256xf32>
    %add3A_38 = arith.constant 1.000000e+00 : f32
    %add3A_39 = vector.broadcast %add3A_38 : f32 to vector<1024x256xf32>
    %add3A_40 = arith.addf %add3A_39, %exp23A_37 : vector<1024x256xf32>
    %integer_pow3A_41 = arith.constant 1.000000e+00 : f32
    %integer_pow3A_42 = vector.broadcast %integer_pow3A_41 : f32 to vector<1024x256xf32>
    %integer_pow3A_43 = arith.divf %integer_pow3A_42, %add3A_40 : vector<1024x256xf32>
    %mul3A_44 = arith.mulf %dot_general3A_28, %integer_pow3A_43 : vector<1024x256xf32>
    %add3A_45 = arith.addf %mul3A_21, %mul3A_44 : vector<1024x256xf32>
    %get3A_46 = arith.constant 2 : index
    %get3A_47 = arith.constant 0 : index
    %get3A_48 = arith.constant 0 : index
    %get3A_49 = vector.load %arg1[%get3A_46, %get3A_47, %get3A_48] : memref<4x1024x256xf32, #tpu.memory_space<vmem>>, vector<1x1024x256xf32>
    %get3A_50 = vector.shape_cast %get3A_49 : vector<1x1024x256xf32> to vector<1024x256xf32>
    %dot_general3A_51 = arith.constant dense<0.000000e+00> : vector<1024x256xf32>
    %dot_general3A_52 = tpu.matmul %get3A_50, %get3A_3, %dot_general3A_51 {dimension_numbers = #tpu.dot_dimension_numbers<[1], [0], [0], [1], [0, 0, 1, 1], [], []>, transpose_lhs_hint = false} : vector<1024x256xf32>, vector<256x256xf32>, vector<1024x256xf32> -> vector<1024x256xf32>
    %mul3A_53 = arith.mulf %dot_general3A_52, %dot_general3A_52 : vector<1024x256xf32>
    %mul3A_54 = arith.constant -0.102943242 : f32
    %mul3A_55 = vector.broadcast %mul3A_54 : f32 to vector<1024x256xf32>
    %mul3A_56 = arith.mulf %mul3A_55, %mul3A_53 : vector<1024x256xf32>
    %add3A_57 = arith.constant -2.30220819 : f32
    %add3A_58 = vector.broadcast %add3A_57 : f32 to vector<1024x256xf32>
    %add3A_59 = arith.addf %add3A_58, %mul3A_56 : vector<1024x256xf32>
    %mul3A_60 = arith.mulf %dot_general3A_52, %add3A_59 : vector<1024x256xf32>
    %exp23A_61 = math.exp2 %mul3A_60 : vector<1024x256xf32>
    %add3A_62 = arith.constant 1.000000e+00 : f32
    %add3A_63 = vector.broadcast %add3A_62 : f32 to vector<1024x256xf32>
    %add3A_64 = arith.addf %add3A_63, %exp23A_61 : vector<1024x256xf32>
    %integer_pow3A_65 = arith.constant 1.000000e+00 : f32
    %integer_pow3A_66 = vector.broadcast %integer_pow3A_65 : f32 to vector<1024x256xf32>
    %integer_pow3A_67 = arith.divf %integer_pow3A_66, %add3A_64 : vector<1024x256xf32>
    %mul3A_68 = arith.mulf %dot_general3A_52, %integer_pow3A_67 : vector<1024x256xf32>
    %add3A_69 = arith.addf %add3A_45, %mul3A_68 : vector<1024x256xf32>
    %get3A_70 = arith.constant 3 : index
    %get3A_71 = arith.constant 0 : index
    %get3A_72 = arith.constant 0 : index
    %get3A_73 = vector.load %arg1[%get3A_70, %get3A_71, %get3A_72] : memref<4x1024x256xf32, #tpu.memory_space<vmem>>, vector<1x1024x256xf32>
    %get3A_74 = vector.shape_cast %get3A_73 : vector<1x1024x256xf32> to vector<1024x256xf32>
    %dot_general3A_75 = arith.constant dense<0.000000e+00> : vector<1024x256xf32>
    %dot_general3A_76 = tpu.matmul %get3A_74, %get3A_3, %dot_general3A_75 {dimension_numbers = #tpu.dot_dimension_numbers<[1], [0], [0], [1], [0, 0, 1, 1], [], []>, transpose_lhs_hint = false} : vector<1024x256xf32>, vector<256x256xf32>, vector<1024x256xf32> -> vector<1024x256xf32>
    %mul3A_77 = arith.mulf %dot_general3A_76, %dot_general3A_76 : vector<1024x256xf32>
    %mul3A_78 = arith.constant -0.102943242 : f32
    %mul3A_79 = vector.broadcast %mul3A_78 : f32 to vector<1024x256xf32>
    %mul3A_80 = arith.mulf %mul3A_79, %mul3A_77 : vector<1024x256xf32>
    %add3A_81 = arith.constant -2.30220819 : f32
    %add3A_82 = vector.broadcast %add3A_81 : f32 to vector<1024x256xf32>
    %add3A_83 = arith.addf %add3A_82, %mul3A_80 : vector<1024x256xf32>
    %mul3A_84 = arith.mulf %dot_general3A_76, %add3A_83 : vector<1024x256xf32>
    %exp23A_85 = math.exp2 %mul3A_84 : vector<1024x256xf32>
    %add3A_86 = arith.constant 1.000000e+00 : f32
    %add3A_87 = vector.broadcast %add3A_86 : f32 to vector<1024x256xf32>
    %add3A_88 = arith.addf %add3A_87, %exp23A_85 : vector<1024x256xf32>
    %integer_pow3A_89 = arith.constant 1.000000e+00 : f32
    %integer_pow3A_90 = vector.broadcast %integer_pow3A_89 : f32 to vector<1024x256xf32>
    %integer_pow3A_91 = arith.divf %integer_pow3A_90, %add3A_88 : vector<1024x256xf32>
    %mul3A_92 = arith.mulf %dot_general3A_76, %integer_pow3A_91 : vector<1024x256xf32>
    %add3A_93 = arith.addf %add3A_69, %mul3A_92 : vector<1024x256xf32>
    %mul3A_94 = arith.constant 2.500000e-01 : f32
    %mul3A_95 = vector.broadcast %mul3A_94 : f32 to vector<1024x256xf32>
    %mul3A_96 = arith.mulf %add3A_93, %mul3A_95 : vector<1024x256xf32>
    %get3A_97 = arith.constant 0 : index
    %get3A_98 = arith.constant 0 : index
    %get3A_99 = vector.load %arg7[%get3A_97, %get3A_98] : memref<256x256xf32, #tpu.memory_space<vmem>>, vector<256x256xf32>
    %dot_general3A_100 = arith.constant dense<0.000000e+00> : vector<1024x256xf32>
    %dot_general3A_101 = tpu.matmul %mul3A_96, %get3A_99, %dot_general3A_100 {dimension_numbers = #tpu.dot_dimension_numbers<[1], [0], [0], [1], [0, 0, 1, 1], [], []>, transpose_lhs_hint = false} : vector<1024x256xf32>, vector<256x256xf32>, vector<1024x256xf32> -> vector<1024x256xf32>
    %iota3A = tpu.iota {dimensions = array<i32: 1>} : vector<1024x128xi32>
    %get3A_102 = arith.constant 0 : index
    %get3A_103 = arith.constant 0 : index
    %get3A_104 = vector.load %arg9[%get3A_102, %get3A_103] : memref<128x256xf32, #tpu.memory_space<vmem>>, vector<128x256xf32>
    %get3A_105 = arith.constant 0 : index
    %get3A_106 = arith.constant 0 : index
    %get3A_107 = vector.load %arg2[%get3A_105, %get3A_106] : memref<1024x1xi32, #tpu.memory_space<vmem>>, vector<1024x1xi32>
    %broadcast_in_dim3A = vector.shape_cast %get3A_107 : vector<1024x1xi32> to vector<1024x1xi32>
    %broadcast_in_dim3A_108 = vector.broadcast %broadcast_in_dim3A : vector<1024x1xi32> to vector<1024x128xi32>
    %eq3A_109 = arith.cmpi eq, %broadcast_in_dim3A_108, %iota3A : vector<1024x128xi32>
    %convert_element_type3A_110 = arith.extui %eq3A_109 : vector<1024x128xi1> to vector<1024x128xi32>
    %convert_element_type3A_111 = arith.sitofp %convert_element_type3A_110 : vector<1024x128xi32> to vector<1024x128xf32>
    %dot_general3A_112 = arith.constant dense<0.000000e+00> : vector<1024x256xf32>
    %dot_general3A_113 = tpu.matmul %convert_element_type3A_111, %get3A_104, %dot_general3A_112 {dimension_numbers = #tpu.dot_dimension_numbers<[1], [0], [0], [1], [0, 0, 1, 1], [], []>, transpose_lhs_hint = false} : vector<1024x128xf32>, vector<128x256xf32>, vector<1024x256xf32> -> vector<1024x256xf32>
    %add3A_114 = arith.addf %dot_general3A_113, %dot_general3A_101 : vector<1024x256xf32>
    %mul3A_115 = arith.mulf %add3A_114, %add3A_114 : vector<1024x256xf32>
    %mul3A_116 = arith.constant -0.102943242 : f32
    %mul3A_117 = vector.broadcast %mul3A_116 : f32 to vector<1024x256xf32>
    %mul3A_118 = arith.mulf %mul3A_117, %mul3A_115 : vector<1024x256xf32>
    %add3A_119 = arith.constant -2.30220819 : f32
    %add3A_120 = vector.broadcast %add3A_119 : f32 to vector<1024x256xf32>
    %add3A_121 = arith.addf %add3A_120, %mul3A_118 : vector<1024x256xf32>
    %mul3A_122 = arith.mulf %add3A_114, %add3A_121 : vector<1024x256xf32>
    %exp23A_123 = math.exp2 %mul3A_122 : vector<1024x256xf32>
    %add3A_124 = arith.constant 1.000000e+00 : f32
    %add3A_125 = vector.broadcast %add3A_124 : f32 to vector<1024x256xf32>
    %add3A_126 = arith.addf %add3A_125, %exp23A_123 : vector<1024x256xf32>
    %integer_pow3A_127 = arith.constant 1.000000e+00 : f32
    %integer_pow3A_128 = vector.broadcast %integer_pow3A_127 : f32 to vector<1024x256xf32>
    %integer_pow3A_129 = arith.divf %integer_pow3A_128, %add3A_126 : vector<1024x256xf32>
    %mul3A_130 = arith.mulf %add3A_114, %integer_pow3A_129 : vector<1024x256xf32>
    %get3A_131 = arith.constant 0 : index
    %get3A_132 = arith.constant 0 : index
    %get3A_133 = vector.load %arg3[%get3A_131, %get3A_132] : memref<1024x1xi32, #tpu.memory_space<vmem>>, vector<1024x1xi32>
    %broadcast_in_dim3A_134 = vector.shape_cast %get3A_133 : vector<1024x1xi32> to vector<1024x1xi32>
    %broadcast_in_dim3A_135 = vector.broadcast %broadcast_in_dim3A_134 : vector<1024x1xi32> to vector<1024x128xi32>
    %eq3A_136 = arith.cmpi eq, %broadcast_in_dim3A_135, %iota3A : vector<1024x128xi32>
    %convert_element_type3A_137 = arith.extui %eq3A_136 : vector<1024x128xi1> to vector<1024x128xi32>
    %convert_element_type3A_138 = arith.sitofp %convert_element_type3A_137 : vector<1024x128xi32> to vector<1024x128xf32>
    %dot_general3A_139 = arith.constant dense<0.000000e+00> : vector<1024x256xf32>
    %dot_general3A_140 = tpu.matmul %convert_element_type3A_138, %get3A_104, %dot_general3A_139 {dimension_numbers = #tpu.dot_dimension_numbers<[1], [0], [0], [1], [0, 0, 1, 1], [], []>, transpose_lhs_hint = false} : vector<1024x128xf32>, vector<128x256xf32>, vector<1024x256xf32> -> vector<1024x256xf32>
    %add3A_141 = arith.addf %dot_general3A_140, %dot_general3A_101 : vector<1024x256xf32>
    %mul3A_142 = arith.mulf %add3A_141, %add3A_141 : vector<1024x256xf32>
    %mul3A_143 = arith.constant -0.102943242 : f32
    %mul3A_144 = vector.broadcast %mul3A_143 : f32 to vector<1024x256xf32>
    %mul3A_145 = arith.mulf %mul3A_144, %mul3A_142 : vector<1024x256xf32>
    %add3A_146 = arith.constant -2.30220819 : f32
    %add3A_147 = vector.broadcast %add3A_146 : f32 to vector<1024x256xf32>
    %add3A_148 = arith.addf %add3A_147, %mul3A_145 : vector<1024x256xf32>
    %mul3A_149 = arith.mulf %add3A_141, %add3A_148 : vector<1024x256xf32>
    %exp23A_150 = math.exp2 %mul3A_149 : vector<1024x256xf32>
    %add3A_151 = arith.constant 1.000000e+00 : f32
    %add3A_152 = vector.broadcast %add3A_151 : f32 to vector<1024x256xf32>
    %add3A_153 = arith.addf %add3A_152, %exp23A_150 : vector<1024x256xf32>
    %integer_pow3A_154 = arith.constant 1.000000e+00 : f32
    %integer_pow3A_155 = vector.broadcast %integer_pow3A_154 : f32 to vector<1024x256xf32>
    %integer_pow3A_156 = arith.divf %integer_pow3A_155, %add3A_153 : vector<1024x256xf32>
    %mul3A_157 = arith.mulf %add3A_141, %integer_pow3A_156 : vector<1024x256xf32>
    %add3A_158 = arith.addf %mul3A_130, %mul3A_157 : vector<1024x256xf32>
    %mul3A_159 = arith.constant 5.000000e-01 : f32
    %mul3A_160 = vector.broadcast %mul3A_159 : f32 to vector<1024x256xf32>
    %mul3A_161 = arith.mulf %add3A_158, %mul3A_160 : vector<1024x256xf32>
    %swap3A = arith.constant 0 : index
    %swap3A_162 = arith.constant 0 : index
    %swap3A_163 = vector.load %arg8[%swap3A, %swap3A_162] : memref<1024x256xf32, #tpu.memory_space<vmem>>, vector<1024x256xf32>
    tpu.vector_store %arg8[%swap3A, %swap3A_162], %mul3A_161 {strides = array<i32>} : memref<1024x256xf32, #tpu.memory_space<vmem>>, vector<1024x256xf32>,
    return
  }
  func.func @transform_0(%arg0: i32) -> (i32, i32, i32) {
    %c0_i32 = arith.constant 0 : i32
    %c0_i32_0 = arith.constant 0 : i32
    %c0_i32_1 = arith.constant 0 : i32
    return %c0_i32, %arg0, %c0_i32_0 : i32, i32, i32
  }
  func.func @transform_1(%arg0: i32) -> (i32, i32) {
    %c0_i32 = arith.constant 0 : i32
    %c0_i32_0 = arith.constant 0 : i32
    return %arg0, %c0_i32 : i32, i32
  }
  func.func @transform_2(%arg0: i32) -> (i32, i32) {
    %c0_i32 = arith.constant 0 : i32
    %c0_i32_0 = arith.constant 0 : i32
    return %arg0, %c0_i32 : i32, i32
  }
  func.func @transform_3(%arg0: i32) -> (i32, i32) {
    %c0_i32 = arith.constant 0 : i32
    %c0_i32_0 = arith.constant 0 : i32
    %c0_i32_1 = arith.constant 0 : i32
    return %c0_i32, %c0_i32_0 : i32, i32
  }
  func.func @transform_4(%arg0: i32) -> (i32, i32) {
    %c0_i32 = arith.constant 0 : i32
    %c0_i32_0 = arith.constant 0 : i32
    %c0_i32_1 = arith.constant 0 : i32
    return %c0_i32, %c0_i32_0 : i32, i32
  }
  func.func @transform_5(%arg0: i32) -> (i32, i32) {
    %c0_i32 = arith.constant 0 : i32
    %c0_i32_0 = arith.constant 0 : i32
    %c0_i32_1 = arith.constant 0 : i32
    return %c0_i32, %c0_i32_0 : i32, i32
  }
  func.func @transform_6(%arg0: i32) -> (i32, i32) {
    %c0_i32 = arith.constant 0 : i32
    %c0_i32_0 = arith.constant 0 : i32
    %c0_i32_1 = arith.constant 0 : i32
    return %c0_i32, %c0_i32_0 : i32, i32
  }
  func.func @transform_7(%arg0: i32) -> (i32, i32) {
    %c0_i32 = arith.constant 0 : i32
    %c0_i32_0 = arith.constant 0 : i32
    return %arg0, %c0_i32 : i32, i32
  }
}

</mosaic_0001>

<sc_bundles>
// kernel: kernel.4.cloned.1.call-start
scs
__scs_entry_jumppad:
0x0: {  	(pc) =	sbr.rel $0x88, $3  }
0x1: {  	(tag) =	ssettag $0x0;
	lr =	simm.s32 $0x1  }
0x2: {  	[smem:$0x3F9A] =	sst lr;
	_ =	strace $0xD0000000  }
0x3: {  	_ = 	snop  }
0x4: {  	_ = 	snop  }
0x5: {  	_ = 	snop  }
0x6: {  	_ = 	snop  }
0x7: {  	_ = 	snop  }
__scs_overlays_trampoline_lowered:
0x8: {  	[smem:$0x3FA9] =	sst s0  }
0x9: {  	[smem:$0x3FAA] =	sst s1  }
0xa: {  	[smem:$0x3FAB] =	sst s2  }
0xb: {  	[smem:$0x3FAC] =	sst s3  }
0xc: {  	[smem:$0x3FAD] =	sst s4  }
0xd: {  	[smem:$0x3FAE] =	sst s5  }
0xe: {  	[smem:$0x3FAF] =	sst s6  }
0xf: {  	[smem:$0x3FB0] =	sst s7  }
0x10: {  	[smem:$0x3FB1] =	sst s8  }
0x11: {  	[smem:$0x3FB2] =	sst s9;
	s0 =	simm.s32 @!p0 $0x0  }
0x12: {  	s1 =	sld [smem:$0x3F98];
	s0 =	simm.s32 @p0 $0x1  }
0x13: {  	[smem:$0x3FB3] =	sst s0;
	s0 =	simm.s32 @!p1 $0x0  }
0x14: {  	s2 =	sld [smem:$0x3F97];
	s0 =	simm.s32 @p1 $0x1  }
0x15: {  	[smem:$0x3FB4] =	sst s0;
	s0 =	simm.s32 @!p2 $0x0  }
0x16: {  	s3 =	sld [smem:$0x3FDB];
	s0 =	simm.s32 @p2 $0x1  }
0x17: {  	s4 =	simm.s32 $0x1BF5;
	[smem:$0x3FB6] =	sst s0  }
0x18: {  	s0 =	sld [smem:$0x3F99];
	_ =	swait.ge [sflag:s4], $0x0  }
0x19: {  	s7 =	sld [smem:$0x3F9A]  }
0x1a: {  	s8 =	sadd.s32 $0xFFFFE003, lr  }
0x1b: {  	s9 =	sadd.s32 $0xFFFFFEF7, lr;
	s5 =	simm.s32 $0xFFFFFFFF;
	p2 =	slt.u32 s8, $0xFFFFF086  }
0x1c: {  	p1 =	slt.u32 s9, $0xF7A;
	s5 =	simm.s32 @!p2 $0x0  }
0x1d: {  	s5 =	simm.s32 @p1 $0x1;
	p0 =	seq.s32 s7, s2  }
0x1e: {  	s7 =	smul.u32 @!p0 $0xF7A, s2;
	p2 =	seq.s32 @!p0 s5, $0x0  }
0x1f: {  	s9 =	smul.u32 $0xF7A, s1;
	s8 =	simm.s32 @!p0 $0x1BF5;
	p2 =	por !p2, p0  }
0x20: {  	[sflag:s8] =	ssyncset.s32 @!p0 $0xFFFFF086;
	s6 =	sadd.s32 @!p0 s3, s7;
	s7 =	simm.s32 @!p0 $0x108  }
0x21: {  	s3 =	sadd.s32 s3, s9;
	s6 =	sadd.s32 @!p0 $0x88, s6;
	s7 =	simm.s32 @p2 $0x1082  }
0x22: {  	[simem:s7], [sflag:s8] =	dma.local @!p0 [hbm:s6], $0xF7A  }
0x23: {  	s9 =	sor.u32 $0xD0000000, s2;
	s6 =	simm.s32 $0x108;
	_ =	swait.ge @!p0 [sflag:s8], $0x0  }
0x24: {  	s3 =	sadd.s32 $0x88, s3;
	s6 =	simm.s32 @!p1 $0x1082;
	[sflag:s4] =	ssyncset.s32 $0xFFFFF086  }
0x25: {  	[simem:s6], [sflag:s4] =	dma.local [hbm:s3], $0xF7A  }
0x26: {  	[smem:$0x3F9A] =	sst s1;
	(tag) =	ssettag s2;
	_ =	strace s9  }
0x27: {  	s1 =	sld [smem:$0x3FAA]  }
0x28: {  	s2 =	sld [smem:$0x3FAB]  }
0x29: {  	s4 =	sld [smem:$0x3FAD]  }
0x2a: {  	p0 =	seq.s32 s5, $0x0;
	s5 =	sld [smem:$0x3FAE]  }
0x2b: {  	s6 =	sld [smem:$0x3FAF]  }
0x2c: {  	s7 =	sld [smem:$0x3FB0]  }
0x2d: {  	s3 =	simm.s32 $0x108;
	s8 =	sld [smem:$0x3FB1]  }
0x2e: {  	s3 =	simm.s32 @!p0 $0x1082;
	s9 =	sld [smem:$0x3FB2]  }
0x2f: {  	lr =	sadd.s32 s0, s3;
	s0 =	sld [smem:$0x3FA9]  }
0x30: {  	s3 =	sld [smem:$0x3FAC]  }
0x31: {  	[smem:$0x3FB5] =	sst s10  }
0x32: {  	s10 =	sld [smem:$0x3FB3];
	_ =	sdelay $0x3  }
0x33: {  	p0 =	seq.s32 s10, $0x1;
	s10 =	sld [smem:$0x3FB5];
	_ =	sdelay $0x3  }
0x34: {  	[smem:$0x3FB5] =	sst s10  }
0x35: {  	s10 =	sld [smem:$0x3FB4];
	_ =	sdelay $0x3  }
0x36: {  	p1 =	seq.s32 s10, $0x1;
	s10 =	sld [smem:$0x3FB5];
	_ =	sdelay $0x3  }
0x37: {  	[smem:$0x3FB5] =	sst s10  }
0x38: {  	s10 =	sld [smem:$0x3FB6]  }
0x39: {  	_ = 	snop;
	(pc) =	sbr.ind lr, $3  }
0x3a: {  	_ = 	snop  }
0x3b: {  	_ = 	snop  }
0x3c: {  	p2 =	seq.s32 s10, $0x1;
	s10 =	sld [smem:$0x3FB5]  }
0x3d: {  	_ =	shalt  }
0x3e: {  	_ =	shalt  }
0x3f: {  	_ =	shalt  }
0x40: {  	_ =	shalt  }
0x41: {  	_ =	shalt  }
0x42: {  	_ =	shalt  }
0x43: {  	_ =	shalt  }
0x44: {  	_ =	shalt  }
0x45: {  	_ =	shalt  }
0x46: {  	_ =	shalt  }
0x47: {  	_ =	shalt  }
0x48: {  	_ =	shalt  }
0x49: {  	_ =	shalt  }
0x4a: {  	_ =	shalt  }
0x4b: {  	_ =	shalt  }
0x4c: {  	_ =	shalt  }
0x4d: {  	_ =	shalt  }
0x4e: {  	_ =	shalt  }
0x4f: {  	_ =	shalt  }
0x50: {  	_ =	shalt  }
0x51: {  	_ =	shalt  }
0x52: {  	_ =	shalt  }
0x53: {  	_ =	shalt  }
0x54: {  	_ =	shalt  }
0x55: {  	_ =	shalt  }
0x56: {  	_ =	shalt  }
0x57: {  	_ =	shalt  }
0x58: {  	_ =	shalt  }
0x59: {  	_ =	shalt  }
0x5a: {  	_ =	shalt  }
0x5b: {  	_ =	shalt  }
0x5c: {  	_ =	shalt  }
0x5d: {  	_ =	shalt  }
0x5e: {  	_ =	shalt  }
0x5f: {  	_ =	shalt  }
0x60: {  	_ =	shalt  }
0x61: {  	_ =	shalt  }
0x62: {  	_ =	shalt  }
0x63: {  	_ =	shalt  }
0x64: {  	_ =	shalt  }
0x65: {  	_ =	shalt  }
0x66: {  	_ =	shalt  }
0x67: {  	_ =	shalt  }
0x68: {  	_ =	shalt  }
0x69: {  	_ =	shalt  }
0x6a: {  	_ =	shalt  }
0x6b: {  	_ =	shalt  }
0x6c: {  	_ =	shalt  }
0x6d: {  	_ =	shalt  }
0x6e: {  	_ =	shalt  }
0x6f: {  	_ =	shalt  }
0x70: {  	_ =	shalt  }
0x71: {  	_ =	shalt  }
0x72: {  	_ =	shalt  }
0x73: {  	_ =	shalt  }
0x74: {  	_ =	shalt  }
0x75: {  	_ =	shalt  }
0x76: {  	_ =	shalt  }
0x77: {  	_ =	shalt  }
0x78: {  	_ =	shalt  }
0x79: {  	_ =	shalt  }
0x7a: {  	_ =	shalt  }
0x7b: {  	_ =	shalt  }
0x7c: {  	_ =	shalt  }
0x7d: {  	_ =	shalt  }
0x7e: {  	_ =	shalt  }
0x7f: {  	_ =	shalt  }
0x80: {  	_ =	shalt  }
0x81: {  	_ =	shalt  }
0x82: {  	_ =	shalt  }
0x83: {  	_ =	shalt  }
0x84: {  	_ =	shalt  }
0x85: {  	_ =	shalt  }
0x86: {  	_ =	shalt  }
0x87: {  	_ =	shalt  }
.Lfunc_end0:
.L_simem_size_0:
called_computation_lowered:
.L_overlay_start_0:
0x88: {  	s2 =	sld [smem:$0x3FD9]  }
0x89: {  	s3 =	sld [smem:$0x3FFE];
	_ =	sdelay $0x1  }
0x8a: {  	s1 =	srdreg.scid  }
0x8b: {  	s0 =	sand.u32 $0x1, s1  }
0x8c: {  	s17 =	sshll.u32 s0, $0xA;
	s2 =	sadd.s32 s3, s2  }
0x8d: {  	s2 =	sadd.s32 s2, s17  }
0x8e: {  	[smem:$0x3FC1] =	sst s2  }
0x8f: {  	_ = 	snop  }
0x90: {  	s2 =	sld [smem:$0x3FC7]  }
0x91: {  	s18 =	sld [smem:$0x3FD0];
	(tm) =	ssettm $0x1  }
0x92: {  	s4 =	sld [smem:$0x3FFB];
	_ =	sdelay $0x3  }
0x93: {  	_ =	strace s4  }
0x94: {  	s4 =	sld [smem:$0x3FFC];
	_ =	sdelay $0x3  }
0x95: {  	_ =	strace s4  }
0x96: {  	s4 =	sld [smem:$0x3FFD];
	_ =	sdelay $0x3  }
0x97: {  	_ =	strace s4  }
0x98: {  	_ =	strace $0x8FFFFFFF  }
0x99: {  	s19 =	sld [smem:$0x3FDB];
	_ =	sdelay $0x1  }
0x9a: {  	s5 =	simm.s32 $_scs_section_size  }
0x9b: {  	s6 =	simm.s32 $_size__tile_overlayer_lowered;
	s7 =	simm.s32 $_tile_overlayer_lowered  }
0x9c: {  	s22 =	simm.s32 $0x1BFF;
	s21 =	sshll.u32 s7, $0x1;
	s4 =	sadd.s32 s5, s19  }
0x9d: {  	s8 =	simm.s32 $0x0;
	s20 =	sshll.u32 s6, $0x1;
	s6 =	sadd.s32 s21, s4  }
0x9e: {  	[timem:s8], [sflag:s22] =	dma.local [hbm:s6], s20  }
0x9f: {  	_ =	swait.ge [sflag:s22], s20  }
0xa0: {  	s5 =	ssub.s32 $0x0, s20;
	[sflag:s22] =	ssyncset.done $0x0  }
0xa1: {  	[sflag:s22] =	ssyncadd.s32 s5;
	_ =	sdelay $0x1  }
0xa2: {  	s23 =	simm.s32 $0x1B8B  }
0xa3: {  	_ =	swait.ge [sflag:s23], $0x1  }
0xa4: {  	[sflag:s23] =	ssyncset.done $0x0  }
0xa5: {  	s25 =	simm.s32 $0x1B8E;
	s24 =	sld [smem:$0x3FFE];
	[sflag:s23] =	ssyncadd.s32 $0xFFFFFFFF  }
0xa6: {  	s26 =	simm.s32 $execute0_lowered;
	[smem:$0x3FD2] =	sst s25  }
0xa7: {  	s6 =	sshll.u32 s26, $0x1;
	_ =	strace $0x80000046;
	[dreg:$0x1] =	wrdreg $0xFFFFFFFF  }
0xa8: {  	s28 =	simm.s32 $_size_execute0_lowered;
	s4 =	sadd.s32 s4, s6;
	[dreg:$0x0] =	wrdreg $0x0  }
0xa9: {  	s6 =	sshll.u32 s28, $0x1;
	[dreg:$0x2] =	wrdreg s4  }
0xaa: {  	[dreg:$0x3] =	wrdreg s6  }
0xab: {  	[dreg:$0x4] =	wrdreg $0xC0  }
0xac: {  	_ =	task [dreg:s8], $0x5FFFF  }
0xad: {  	[dreg:$0x1] =	wrdreg $0xFFFFFFFF  }
0xae: {  	[dreg:$0x0] =	wrdreg $0x60  }
0xaf: {  	[dreg:$0x2] =	wrdreg s18  }
0xb0: {  	[dreg:$0x3] =	wrdreg s2  }
0xb1: {  	[dreg:$0x4] =	wrdreg s24  }
0xb2: {  	[dreg:$0x5] =	wrdreg $0x9  }
0xb3: {  	_ =	task.clear_ibuf [dreg:s8], $0x6FFFF;
	_ =	strace $0x90000046  }
0xb4: {  	s29 =	simm.s32 $0x9;
	_ =	strace $0x80000048  }
0xb5: {  	_ =	swait.ge [sflag:s29], $0x1  }
0xb6: {  	[sflag:s29] =	ssyncadd.s32 $0xFFFFFFFF  }
0xb7: {  	_ =	strace $0x90000048  }
0xb8: {  	_ =	sfence  }
0xb9: {  	s30 =	sld [smem:$0x0];
	_ =	sdelay $0x2  }
0xba: {  	s31 =	sshll.u32 s1, $0xD;
	s1 =	sshrl.u32 s1, $0x2  }
0xbb: {  	s3 =	sand.u32 $0x4000, s31;
	s1 =	sadd.s32 s1, s30  }
0xbc: {  	s0 =	sor.u32 s3, s0;
	s1 =	sshll.u32 s1, $0x11  }
0xbd: {  	s0 =	sor.u32 s1, s0  }
0xbe: {  	s0 =	sadd.s32 $0x8F2B, s0  }
0xbf: {  	[sflag:s0] =	ssyncadd.remote.s32 $0x1  }
0xc0: {  	_ =	sfence.sel $0xFFFF  }
0xc1: {  	[dreg:$0x0] =	wrdreg $0xFFFFFFFF;
	(pc) =	sbr.abs _section_cstart, $3  }
0xc2: {  	[dreg:$0x1] =	wrdreg $0xFFFFFFFF  }
0xc3: {  	_ =	task.clear_ibuf [dreg:s8], $0x2FFFF;
	_ =	strace $0x9FFFFFFF  }
0xc4: {  	(tm) =	ssettm $0x7FFFFFFF  }
0xc5: {  	_ =	shalt  }
tec
execute0_lowered:
.L_overlay_start_1:
0x0: {  	(tag) =	ssettag $0x1  }
0x1: {  	s0 =	rddreg [dreg:$0x0]  }
0x2: {  	s2 =	rddreg [dreg:$0x1];
	s3 =	stileid.u32  }
0x3: {  	s4 =	rddreg [dreg:$0x2];
	s5 =	sshll.u32 s3, $0x1;
	s3 =	simm.s32 $0x0  }
0x4: {  	s20 =	simm.s32 $0x8C00;
	[smem:$0x7FF] =	sst s3  }
0x5: {  	s21 =	simm.s32 $0x9400;
	_ =	strace $0x80000047;
	[dreg:$0xd] =	wrdreg s20  }
0x6: {  	s22 =	simm.s32 $0x9C00;
	[dreg:$0xe] =	wrdreg s21  }
0x7: {  	s23 =	simm.s32 $0xA400;
	[dreg:$0xf] =	wrdreg s22  }
0x8: {  	s24 =	simm.s32 $0xAC00;
	[dreg:$0x10] =	wrdreg s23  }
0x9: {  	s25 =	simm.s32 $0xB400;
	[dreg:$0x11] =	wrdreg s24  }
0xa: {  	s7 =	simm.s32 $0xD400;
	[dreg:$0x12] =	wrdreg s25  }
0xb: {  	s8 =	simm.s32 $0xDC00;
	[dreg:$0x15] =	wrdreg s7  }
0xc: {  	s1 =	srdreg.scid;
	s9 =	simm.s32 $0xE400;
	[dreg:$0x16] =	wrdreg s8  }
0xd: {  	s10 =	simm.s32 $0xEC00;
	s11 =	simm.s32 $0xF400;
	[dreg:$0x17] =	wrdreg s9  }
0xe: {  	s28 =	simm.s32 $0x2;
	s29 =	simm.s32 $0x7;
	[dreg:$0x18] =	wrdreg s10  }
0xf: {  	s31 =	simm.s32 $0x8;
	[dreg:$0x19] =	wrdreg s11;
	s20 =	simm.s32 $0x14C00  }
0x10: {  	s30 =	simm.s32 $0x7400;
	s21 =	simm.s32 $0x15400;
	[smem:$0x7F7] =	sst s20  }
0x11: {  	s1 =	sand.u32 $0x1, s1;
	s22 =	simm.s32 $0x15C00;
	[smem:$0x7F8] =	sst s21  }
0x12: {  	s5 =	sor.u32 s1, s5;
	s23 =	simm.s32 $0x16400;
	[smem:$0x7F9] =	sst s22  }
0x13: {  	s6 =	sshll.u32 s5, $0xE;
	s24 =	simm.s32 $0x16C00;
	[smem:$0x7FA] =	sst s23  }
0x14: {  	s5 =	sshll.u32 s5, $0x7;
	s25 =	simm.s32 $0x17400;
	[smem:$0x7FB] =	sst s24  }
0x15: {  	s1 =	ssub.s32 $0x2, s1;
	s0 =	sadd.s32 s0, s5;
	[smem:$0x7FC] =	sst s25  }
0x16: {  	s26 =	sshrl.u32 s1, $0x1;
	s5 =	simm.s32 $0xBC00;
	[dreg:$0x4] =	wrdreg s0  }
0x17: {  	s4 =	sadd.s32 s6, s4;
	s6 =	simm.s32 $0xCC00;
	[dreg:$0x13] =	wrdreg s5  }
0x18: {  	s1 =	ssub.s32 s1, s26;
	s26 =	simm.s32 $0x17C00;
	[dreg:$0x14] =	wrdreg s6  }
0x19: {  	s10 =	simm.s32 $0xB;
	s12 =	sadd.s32 $0x1200, s4;
	[smem:$0x7FD] =	sst s26  }
0x1a: {  	s11 =	simm.s32 $0xC;
	s13 =	sadd.s32 $0x1A00, s4;
	[dreg:$0x5] =	wrdreg s12  }
0x1b: {  	s7 =	simm.s32 $0xC400;
	s14 =	sadd.s32 $0x2200, s4;
	[dreg:$0x6] =	wrdreg s13  }
0x1c: {  	s8 =	simm.s32 $0x10400;
	s15 =	sadd.s32 $0x2A00, s4;
	[dreg:$0x7] =	wrdreg s14  }
0x1d: {  	s9 =	simm.s32 $0x14400;
	s16 =	sadd.s32 $0x3200, s4;
	[dreg:$0x8] =	wrdreg s15  }
0x1e: {  	s25 =	simm.s32 $0x1;
	s17 =	sadd.s32 $0x3A00, s4;
	[dreg:$0x9] =	wrdreg s16  }
0x1f: {  	s20 =	simm.s32 $0x3400;
	s18 =	sadd.s32 $0x4200, s4;
	[dreg:$0xa] =	wrdreg s17  }
0x20: {  	s21 =	simm.s32 $0x3C00;
	s19 =	sadd.s32 $0x4A00, s4;
	[dreg:$0xb] =	wrdreg s18  }
0x21: {  	s22 =	simm.s32 $0x4C00;
	[dreg:$0xc] =	wrdreg s19;
	s12 =	simm.s32 $0xFC00  }
0x22: {  	s23 =	simm.s32 $0x5400;
	s13 =	simm.s32 $0x10C00;
	[dreg:$0x1a] =	wrdreg s12  }
0x23: {  	s24 =	simm.s32 $0x5C00;
	s14 =	simm.s32 $0x11400;
	[dreg:$0x1b] =	wrdreg s13  }
0x24: {  	s4 =	smax.u32 s1, $0x1;
	s15 =	simm.s32 $0x11C00;
	[dreg:$0x1c] =	wrdreg s14  }
0x25: {  	s6 =	simm.s32 $0x400;
	s16 =	simm.s32 $0x12400;
	[dreg:$0x1d] =	wrdreg s15  }
0x26: {  	s26 =	simm.s32 $0x6400;
	s17 =	simm.s32 $0x12C00;
	[dreg:$0x1e] =	wrdreg s16  }
0x27: {  	s1 =	simm.s32 $0x7C00;
	s18 =	simm.s32 $0x13400;
	[dreg:$0x1f] =	wrdreg s17  }
0x28: {  	v2 =	vlaneseq.u32;
	s19 =	simm.s32 $0x13C00;
	s14 =	simm.s32 $0x4400;
	[smem:$0x7F5] =	sst s18  }
0x29: {  	vm0 =	vmmov $0xffff;
	v1 =	vshrl.u32 v2, $0x3;
	[smem:$0x7F6] =	sst s19;
	s15 =	simm.s32 $0xC00;
	s16 =	simm.s32 $0x1400  }
0x2a: {  	v0 =	vand.u32 $0x7, v2;
	v2 =	vor.u32 $0x8, v2;
	v1 =	vmul.u32 $0x8, v1;
	s17 =	simm.s32 $0x1C00;
	s18 =	simm.s32 $0x2400;
	s19 =	simm.s32 $0x2C00  }
.LBB2_1:
0x2b: {  	s12 =	rddreg [dreg:$0x4];
	s5 =	simm.s32 $0xD  }
0x2c: {  	[tilespmem:s3], [sflag:$0xD] =	stream.linear.gather [hbm4b:s12+s3], $0x400, $0x38;
	[tilespmem:$0x18400] =	vst v63  }
0x2d: {  	_ =	swait.ge [sflag:s5], $0x400  }
0x2e: {  	[sflag:s5] =	ssyncset.done $0x0  }
0x2f: {  	[sflag:s5] =	ssyncadd.s32 $0xFFFFFC00  }
0x30: {  	v3 =	vld [tilespmem:$0x0];
	_ =	sdelay $0x4  }
0x31: {  	v4 =	vshll.u32 v3, $0x1  }
0x32: {  	v3 =	vand.u32 $0x7, v3;
	v4 =	vand.u32 $0xFFFFFFF0, v4  }
0x33: {  	v3 =	vor.u32 v3, v4  }
0x34: {  	v4 =	vperm.xlane v3, v0;
	_ =	sdelay $0x1  }
0x35: {  	v3 =	vperm.xlane v3, v2;
	v4 =	vadd.s32 v1, v4;
	_ =	sdelay $0x1  }
0x36: {  	v3 =	vadd.s32 v1, v3;
	_ =	sdelay $0x2  }
0x37: {  	[tilespmem:s6], [sflag:$0x1] =	stream.indirect_vreg.gather [hbm4b:s2+s3], $0x80, v4, vm0, $0xb8;
	[tilespmem:$0x18400] =	vst v63  }
0x38: {  	_ = 	snop  }
0x39: {  	[tilespmem:s15], [sflag:$0x1] =	stream.indirect_vreg.gather [hbm4b:s2+s3], $0x80, v3, vm0, $0xb8;
	[tilespmem:$0x18400] =	vst v63  }
0x3a: {  	v3 =	vld [tilespmem:$0x10];
	_ =	sdelay $0x4  }
0x3b: {  	v33 =	vshll.u32 v3, $0x1  }
0x3c: {  	v3 =	vand.u32 $0x7, v3;
	v4 =	vand.u32 $0xFFFFFFF0, v33  }
0x3d: {  	v3 =	vor.u32 v3, v4  }
0x3e: {  	v4 =	vperm.xlane v3, v0;
	_ =	sdelay $0x1  }
0x3f: {  	v3 =	vperm.xlane v3, v2;
	v4 =	vadd.s32 v1, v4;
	_ =	sdelay $0x1  }
0x40: {  	v3 =	vadd.s32 v1, v3;
	_ =	sdelay $0x2  }
0x41: {  	[tilespmem:s16], [sflag:$0x1] =	stream.indirect_vreg.gather [hbm4b:s2+s3], $0x80, v4, vm0, $0xb8;
	[tilespmem:$0x18400] =	vst v63  }
0x42: {  	_ = 	snop  }
0x43: {  	[tilespmem:s17], [sflag:$0x1] =	stream.indirect_vreg.gather [hbm4b:s2+s3], $0x80, v3, vm0, $0xb8;
	[tilespmem:$0x18400] =	vst v63  }
0x44: {  	v3 =	vld [tilespmem:$0x20];
	_ =	sdelay $0x4  }
0x45: {  	v34 =	vshll.u32 v3, $0x1  }
0x46: {  	v3 =	vand.u32 $0x7, v3;
	v4 =	vand.u32 $0xFFFFFFF0, v34  }
0x47: {  	v3 =	vor.u32 v3, v4  }
0x48: {  	v4 =	vperm.xlane v3, v0;
	_ =	sdelay $0x1  }
0x49: {  	v3 =	vperm.xlane v3, v2;
	v4 =	vadd.s32 v1, v4;
	_ =	sdelay $0x1  }
0x4a: {  	v3 =	vadd.s32 v1, v3;
	_ =	sdelay $0x2  }
0x4b: {  	[tilespmem:s18], [sflag:$0x1] =	stream.indirect_vreg.gather [hbm4b:s2+s3], $0x80, v4, vm0, $0xb8;
	[tilespmem:$0x18400] =	vst v63  }
0x4c: {  	_ = 	snop  }
0x4d: {  	[tilespmem:s19], [sflag:$0x1] =	stream.indirect_vreg.gather [hbm4b:s2+s3], $0x80, v3, vm0, $0xb8;
	[tilespmem:$0x18400] =	vst v63  }
0x4e: {  	v3 =	vld [tilespmem:$0x30];
	_ =	sdelay $0x4  }
0x4f: {  	v35 =	vshll.u32 v3, $0x1  }
0x50: {  	v3 =	vand.u32 $0x7, v3;
	v4 =	vand.u32 $0xFFFFFFF0, v35  }
0x51: {  	v3 =	vor.u32 v3, v4  }
0x52: {  	v4 =	vperm.xlane v3, v0;
	_ =	sdelay $0x1  }
0x53: {  	v3 =	vperm.xlane v3, v2;
	v4 =	vadd.s32 v1, v4;
	_ =	sdelay $0x1  }
0x54: {  	v3 =	vadd.s32 v1, v3;
	_ =	sdelay $0x2  }
0x55: {  	[tilespmem:s20], [sflag:$0x1] =	stream.indirect_vreg.gather [hbm4b:s2+s3], $0x80, v4, vm0, $0xb8;
	[tilespmem:$0x18400] =	vst v63  }
0x56: {  	_ = 	snop  }
0x57: {  	[tilespmem:s21], [sflag:$0x1] =	stream.indirect_vreg.gather [hbm4b:s2+s3], $0x80, v3, vm0, $0xb8;
	[tilespmem:$0x18400] =	vst v63  }
0x58: {  	v3 =	vld [tilespmem:$0x80];
	_ =	sdelay $0x4  }
0x59: {  	v36 =	vshll.u32 v3, $0x1  }
0x5a: {  	v3 =	vand.u32 $0x7, v3;
	v4 =	vand.u32 $0xFFFFFFF0, v36  }
0x5b: {  	v3 =	vor.u32 v3, v4  }
0x5c: {  	v4 =	vperm.xlane v3, v0;
	_ =	sdelay $0x1  }
0x5d: {  	v3 =	vperm.xlane v3, v2;
	v4 =	vadd.s32 v1, v4;
	_ =	sdelay $0x1  }
0x5e: {  	v3 =	vadd.s32 v1, v3;
	_ =	sdelay $0x2  }
0x5f: {  	[tilespmem:s14], [sflag:$0x2] =	stream.indirect_vreg.gather [hbm4b:s2+s3], $0x80, v4, vm0, $0xb8;
	[tilespmem:$0x18400] =	vst v63  }
0x60: {  	_ = 	snop  }
0x61: {  	[tilespmem:s22], [sflag:$0x2] =	stream.indirect_vreg.gather [hbm4b:s2+s3], $0x80, v3, vm0, $0xb8;
	[tilespmem:$0x18400] =	vst v63  }
0x62: {  	v3 =	vld [tilespmem:$0x90];
	_ =	sdelay $0x4  }
0x63: {  	v37 =	vshll.u32 v3, $0x1  }
0x64: {  	v3 =	vand.u32 $0x7, v3;
	v4 =	vand.u32 $0xFFFFFFF0, v37  }
0x65: {  	v3 =	vor.u32 v3, v4  }
0x66: {  	v4 =	vperm.xlane v3, v0;
	_ =	sdelay $0x1  }
0x67: {  	v3 =	vperm.xlane v3, v2;
	v4 =	vadd.s32 v1, v4;
	_ =	sdelay $0x1  }
0x68: {  	v3 =	vadd.s32 v1, v3;
	_ =	sdelay $0x2  }
0x69: {  	[tilespmem:s23], [sflag:$0x2] =	stream.indirect_vreg.gather [hbm4b:s2+s3], $0x80, v4, vm0, $0xb8;
	[tilespmem:$0x18400] =	vst v63  }
0x6a: {  	_ = 	snop  }
0x6b: {  	[tilespmem:s24], [sflag:$0x2] =	stream.indirect_vreg.gather [hbm4b:s2+s3], $0x80, v3, vm0, $0xb8;
	[tilespmem:$0x18400] =	vst v63  }
0x6c: {  	v3 =	vld [tilespmem:$0xA0];
	_ =	sdelay $0x4  }
0x6d: {  	v38 =	vshll.u32 v3, $0x1  }
0x6e: {  	v3 =	vand.u32 $0x7, v3;
	v4 =	vand.u32 $0xFFFFFFF0, v38  }
0x6f: {  	v3 =	vor.u32 v3, v4  }
0x70: {  	v4 =	vperm.xlane v3, v0;
	_ =	sdelay $0x1  }
0x71: {  	v3 =	vperm.xlane v3, v2;
	v4 =	vadd.s32 v1, v4;
	_ =	sdelay $0x1  }
0x72: {  	v3 =	vadd.s32 v1, v3;
	_ =	sdelay $0x2  }
0x73: {  	[tilespmem:s26], [sflag:$0x2] =	stream.indirect_vreg.gather [hbm4b:s2+s3], $0x80, v4, vm0, $0xb8;
	[tilespmem:$0x18400] =	vst v63  }
0x74: {  	s5 =	simm.s32 $0x6C00  }
0x75: {  	[tilespmem:s5], [sflag:$0x2] =	stream.indirect_vreg.gather [hbm4b:s2+s3], $0x80, v3, vm0, $0xb8;
	[tilespmem:$0x18400] =	vst v63  }
0x76: {  	v3 =	vld [tilespmem:$0xB0];
	_ =	sdelay $0x4  }
0x77: {  	v39 =	vshll.u32 v3, $0x1  }
0x78: {  	v3 =	vand.u32 $0x7, v3;
	v4 =	vand.u32 $0xFFFFFFF0, v39  }
0x79: {  	v3 =	vor.u32 v3, v4  }
0x7a: {  	v4 =	vperm.xlane v3, v0;
	_ =	sdelay $0x1  }
0x7b: {  	v3 =	vperm.xlane v3, v2;
	v4 =	vadd.s32 v1, v4;
	_ =	sdelay $0x1  }
0x7c: {  	v3 =	vadd.s32 v1, v3;
	_ =	sdelay $0x2  }
0x7d: {  	[tilespmem:s30], [sflag:$0x2] =	stream.indirect_vreg.gather [hbm4b:s2+s3], $0x80, v4, vm0, $0xb8;
	[tilespmem:$0x18400] =	vst v63  }
0x7e: {  	_ = 	snop  }
0x7f: {  	[tilespmem:s1], [sflag:$0x2] =	stream.indirect_vreg.gather [hbm4b:s2+s3], $0x80, v3, vm0, $0xb8;
	[tilespmem:$0x18400] =	vst v63  }
0x80: {  	v3 =	vld [tilespmem:$0x100];
	_ =	sdelay $0x4  }
0x81: {  	v40 =	vshll.u32 v3, $0x1  }
0x82: {  	v3 =	vand.u32 $0x7, v3;
	v4 =	vand.u32 $0xFFFFFFF0, v40  }
0x83: {  	v3 =	vor.u32 v3, v4  }
0x84: {  	v4 =	vperm.xlane v3, v0;
	_ =	sdelay $0x1  }
0x85: {  	v3 =	vperm.xlane v3, v2;
	v4 =	vadd.s32 v1, v4;
	_ =	sdelay $0x1  }
0x86: {  	v3 =	vadd.s32 v1, v3;
	_ =	sdelay $0x1  }
0x87: {  	s0 =	simm.s32 $0x8400  }
0x88: {  	[tilespmem:s0], [sflag:$0x3] =	stream.indirect_vreg.gather [hbm4b:s2+s3], $0x80, v4, vm0, $0xb8;
	[tilespmem:$0x18400] =	vst v63  }
0x89: {  	s13 =	rddreg [dreg:$0xd]  }
0x8a: {  	[tilespmem:s13], [sflag:$0x3] =	stream.indirect_vreg.gather [hbm4b:s2+s3], $0x80, v3, vm0, $0xb8;
	[tilespmem:$0x18400] =	vst v63  }
0x8b: {  	v3 =	vld [tilespmem:$0x110];
	_ =	sdelay $0x4  }
0x8c: {  	v41 =	vshll.u32 v3, $0x1  }
0x8d: {  	v3 =	vand.u32 $0x7, v3;
	v4 =	vand.u32 $0xFFFFFFF0, v41  }
0x8e: {  	v3 =	vor.u32 v3, v4  }
0x8f: {  	v4 =	vperm.xlane v3, v0;
	_ =	sdelay $0x1  }
0x90: {  	v3 =	vperm.xlane v3, v2;
	v4 =	vadd.s32 v1, v4;
	_ =	sdelay $0x1  }
0x91: {  	v3 =	vadd.s32 v1, v3;
	_ =	sdelay $0x1  }
0x92: {  	s12 =	rddreg [dreg:$0xe]  }
0x93: {  	[tilespmem:s12], [sflag:$0x3] =	stream.indirect_vreg.gather [hbm4b:s2+s3], $0x80, v4, vm0, $0xb8;
	[tilespmem:$0x18400] =	vst v63  }
0x94: {  	s13 =	rddreg [dreg:$0xf]  }
0x95: {  	[tilespmem:s13], [sflag:$0x3] =	stream.indirect_vreg.gather [hbm4b:s2+s3], $0x80, v3, vm0, $0xb8;
	[tilespmem:$0x18400] =	vst v63  }
0x96: {  	v3 =	vld [tilespmem:$0x120];
	_ =	sdelay $0x4  }
0x97: {  	v42 =	vshll.u32 v3, $0x1  }
0x98: {  	v3 =	vand.u32 $0x7, v3;
	v4 =	vand.u32 $0xFFFFFFF0, v42  }
0x99: {  	v3 =	vor.u32 v3, v4  }
0x9a: {  	v4 =	vperm.xlane v3, v0;
	_ =	sdelay $0x1  }
0x9b: {  	v3 =	vperm.xlane v3, v2;
	v4 =	vadd.s32 v1, v4;
	_ =	sdelay $0x1  }
0x9c: {  	v3 =	vadd.s32 v1, v3;
	_ =	sdelay $0x1  }
0x9d: {  	s12 =	rddreg [dreg:$0x10]  }
0x9e: {  	[tilespmem:s12], [sflag:$0x3] =	stream.indirect_vreg.gather [hbm4b:s2+s3], $0x80, v4, vm0, $0xb8;
	[tilespmem:$0x18400] =	vst v63  }
0x9f: {  	s13 =	rddreg [dreg:$0x11]  }
0xa0: {  	[tilespmem:s13], [sflag:$0x3] =	stream.indirect_vreg.gather [hbm4b:s2+s3], $0x80, v3, vm0, $0xb8;
	[tilespmem:$0x18400] =	vst v63  }
0xa1: {  	v3 =	vld [tilespmem:$0x130];
	_ =	sdelay $0x4  }
0xa2: {  	v43 =	vshll.u32 v3, $0x1  }
0xa3: {  	v3 =	vand.u32 $0x7, v3;
	v4 =	vand.u32 $0xFFFFFFF0, v43  }
0xa4: {  	v3 =	vor.u32 v3, v4  }
0xa5: {  	v4 =	vperm.xlane v3, v0;
	_ =	sdelay $0x1  }
0xa6: {  	v3 =	vperm.xlane v3, v2;
	v4 =	vadd.s32 v1, v4;
	_ =	sdelay $0x1  }
0xa7: {  	v3 =	vadd.s32 v1, v3;
	_ =	sdelay $0x1  }
0xa8: {  	s12 =	rddreg [dreg:$0x12]  }
0xa9: {  	[tilespmem:s12], [sflag:$0x3] =	stream.indirect_vreg.gather [hbm4b:s2+s3], $0x80, v4, vm0, $0xb8;
	[tilespmem:$0x18400] =	vst v63  }
0xaa: {  	s13 =	rddreg [dreg:$0x13]  }
0xab: {  	[tilespmem:s13], [sflag:$0x3] =	stream.indirect_vreg.gather [hbm4b:s2+s3], $0x80, v3, vm0, $0xb8;
	[tilespmem:$0x18400] =	vst v63  }
0xac: {  	v3 =	vld [tilespmem:$0x180];
	_ =	sdelay $0x4  }
0xad: {  	v44 =	vshll.u32 v3, $0x1  }
0xae: {  	v3 =	vand.u32 $0x7, v3;
	v4 =	vand.u32 $0xFFFFFFF0, v44  }
0xaf: {  	v3 =	vor.u32 v3, v4  }
0xb0: {  	v4 =	vperm.xlane v3, v0;
	_ =	sdelay $0x1  }
0xb1: {  	v3 =	vperm.xlane v3, v2;
	v4 =	vadd.s32 v1, v4;
	_ =	sdelay $0x1  }
0xb2: {  	v3 =	vadd.s32 v1, v3;
	_ =	sdelay $0x2  }
0xb3: {  	[tilespmem:s7], [sflag:$0x4] =	stream.indirect_vreg.gather [hbm4b:s2+s3], $0x80, v4, vm0, $0xb8;
	[tilespmem:$0x18400] =	vst v63  }
0xb4: {  	s13 =	rddreg [dreg:$0x14]  }
0xb5: {  	[tilespmem:s13], [sflag:$0x4] =	stream.indirect_vreg.gather [hbm4b:s2+s3], $0x80, v3, vm0, $0xb8;
	[tilespmem:$0x18400] =	vst v63  }
0xb6: {  	v3 =	vld [tilespmem:$0x190];
	_ =	sdelay $0x4  }
0xb7: {  	v45 =	vshll.u32 v3, $0x1  }
0xb8: {  	v3 =	vand.u32 $0x7, v3;
	v4 =	vand.u32 $0xFFFFFFF0, v45  }
0xb9: {  	v3 =	vor.u32 v3, v4  }
0xba: {  	v4 =	vperm.xlane v3, v0;
	_ =	sdelay $0x1  }
0xbb: {  	v3 =	vperm.xlane v3, v2;
	v4 =	vadd.s32 v1, v4;
	_ =	sdelay $0x1  }
0xbc: {  	v3 =	vadd.s32 v1, v3;
	_ =	sdelay $0x1  }
0xbd: {  	s12 =	rddreg [dreg:$0x15]  }
0xbe: {  	[tilespmem:s12], [sflag:$0x4] =	stream.indirect_vreg.gather [hbm4b:s2+s3], $0x80, v4, vm0, $0xb8;
	[tilespmem:$0x18400] =	vst v63  }
0xbf: {  	s13 =	rddreg [dreg:$0x16]  }
0xc0: {  	[tilespmem:s13], [sflag:$0x4] =	stream.indirect_vreg.gather [hbm4b:s2+s3], $0x80, v3, vm0, $0xb8;
	[tilespmem:$0x18400] =	vst v63  }
0xc1: {  	v3 =	vld [tilespmem:$0x1A0];
	_ =	sdelay $0x4  }
0xc2: {  	v46 =	vshll.u32 v3, $0x1  }
0xc3: {  	v3 =	vand.u32 $0x7, v3;
	v4 =	vand.u32 $0xFFFFFFF0, v46  }
0xc4: {  	v3 =	vor.u32 v3, v4  }
0xc5: {  	v4 =	vperm.xlane v3, v0;
	_ =	sdelay $0x1  }
0xc6: {  	v3 =	vperm.xlane v3, v2;
	v4 =	vadd.s32 v1, v4;
	_ =	sdelay $0x1  }
0xc7: {  	v3 =	vadd.s32 v1, v3;
	_ =	sdelay $0x1  }
0xc8: {  	s12 =	rddreg [dreg:$0x17]  }
0xc9: {  	[tilespmem:s12], [sflag:$0x4] =	stream.indirect_vreg.gather [hbm4b:s2+s3], $0x80, v4, vm0, $0xb8;
	[tilespmem:$0x18400] =	vst v63  }
0xca: {  	s13 =	rddreg [dreg:$0x18]  }
0xcb: {  	[tilespmem:s13], [sflag:$0x4] =	stream.indirect_vreg.gather [hbm4b:s2+s3], $0x80, v3, vm0, $0xb8;
	[tilespmem:$0x18400] =	vst v63  }
0xcc: {  	v3 =	vld [tilespmem:$0x1B0];
	_ =	sdelay $0x4  }
0xcd: {  	v47 =	vshll.u32 v3, $0x1  }
0xce: {  	v3 =	vand.u32 $0x7, v3;
	v4 =	vand.u32 $0xFFFFFFF0, v47  }
0xcf: {  	v3 =	vor.u32 v3, v4  }
0xd0: {  	v4 =	vperm.xlane v3, v0;
	_ =	sdelay $0x1  }
0xd1: {  	v3 =	vperm.xlane v3, v2;
	v4 =	vadd.s32 v1, v4;
	_ =	sdelay $0x1  }
0xd2: {  	v3 =	vadd.s32 v1, v3;
	_ =	sdelay $0x1  }
0xd3: {  	s12 =	rddreg [dreg:$0x19]  }
0xd4: {  	[tilespmem:s12], [sflag:$0x4] =	stream.indirect_vreg.gather [hbm4b:s2+s3], $0x80, v4, vm0, $0xb8;
	[tilespmem:$0x18400] =	vst v63  }
0xd5: {  	s13 =	rddreg [dreg:$0x1a]  }
0xd6: {  	[tilespmem:s13], [sflag:$0x4] =	stream.indirect_vreg.gather [hbm4b:s2+s3], $0x80, v3, vm0, $0xb8;
	[tilespmem:$0x18400] =	vst v63  }
0xd7: {  	v3 =	vld [tilespmem:$0x200];
	_ =	sdelay $0x4  }
0xd8: {  	v48 =	vshll.u32 v3, $0x1  }
0xd9: {  	v3 =	vand.u32 $0x7, v3;
	v4 =	vand.u32 $0xFFFFFFF0, v48  }
0xda: {  	v3 =	vor.u32 v3, v4  }
0xdb: {  	v4 =	vperm.xlane v3, v0;
	_ =	sdelay $0x1  }
0xdc: {  	v3 =	vperm.xlane v3, v2;
	v4 =	vadd.s32 v1, v4;
	_ =	sdelay $0x1  }
0xdd: {  	v3 =	vadd.s32 v1, v3;
	_ =	sdelay $0x2  }
0xde: {  	[tilespmem:s8], [sflag:$0x5] =	stream.indirect_vreg.gather [hbm4b:s2+s3], $0x80, v4, vm0, $0xb8;
	[tilespmem:$0x18400] =	vst v63  }
0xdf: {  	s13 =	rddreg [dreg:$0x1b]  }
0xe0: {  	[tilespmem:s13], [sflag:$0x5] =	stream.indirect_vreg.gather [hbm4b:s2+s3], $0x80, v3, vm0, $0xb8;
	[tilespmem:$0x18400] =	vst v63  }
0xe1: {  	v3 =	vld [tilespmem:$0x210];
	_ =	sdelay $0x4  }
0xe2: {  	v49 =	vshll.u32 v3, $0x1  }
0xe3: {  	v3 =	vand.u32 $0x7, v3;
	v4 =	vand.u32 $0xFFFFFFF0, v49  }
0xe4: {  	v3 =	vor.u32 v3, v4  }
0xe5: {  	v4 =	vperm.xlane v3, v0;
	_ =	sdelay $0x1  }
0xe6: {  	v3 =	vperm.xlane v3, v2;
	v4 =	vadd.s32 v1, v4;
	_ =	sdelay $0x1  }
0xe7: {  	v3 =	vadd.s32 v1, v3;
	_ =	sdelay $0x1  }
0xe8: {  	s12 =	rddreg [dreg:$0x1c]  }
0xe9: {  	[tilespmem:s12], [sflag:$0x5] =	stream.indirect_vreg.gather [hbm4b:s2+s3], $0x80, v4, vm0, $0xb8;
	[tilespmem:$0x18400] =	vst v63  }
0xea: {  	s13 =	rddreg [dreg:$0x1d]  }
0xeb: {  	[tilespmem:s13], [sflag:$0x5] =	stream.indirect_vreg.gather [hbm4b:s2+s3], $0x80, v3, vm0, $0xb8;
	[tilespmem:$0x18400] =	vst v63  }
0xec: {  	v3 =	vld [tilespmem:$0x220];
	_ =	sdelay $0x4  }
0xed: {  	v50 =	vshll.u32 v3, $0x1  }
0xee: {  	v3 =	vand.u32 $0x7, v3;
	v4 =	vand.u32 $0xFFFFFFF0, v50  }
0xef: {  	v3 =	vor.u32 v3, v4  }
0xf0: {  	v4 =	vperm.xlane v3, v0;
	_ =	sdelay $0x1  }
0xf1: {  	v3 =	vperm.xlane v3, v2;
	v4 =	vadd.s32 v1, v4;
	_ =	sdelay $0x1  }
0xf2: {  	v3 =	vadd.s32 v1, v3;
	_ =	sdelay $0x1  }
0xf3: {  	s12 =	rddreg [dreg:$0x1e]  }
0xf4: {  	[tilespmem:s12], [sflag:$0x5] =	stream.indirect_vreg.gather [hbm4b:s2+s3], $0x80, v4, vm0, $0xb8;
	[tilespmem:$0x18400] =	vst v63  }
0xf5: {  	s13 =	rddreg [dreg:$0x1f]  }
0xf6: {  	[tilespmem:s13], [sflag:$0x5] =	stream.indirect_vreg.gather [hbm4b:s2+s3], $0x80, v3, vm0, $0xb8;
	[tilespmem:$0x18400] =	vst v63  }
0xf7: {  	v3 =	vld [tilespmem:$0x230];
	_ =	sdelay $0x4  }
0xf8: {  	v51 =	vshll.u32 v3, $0x1  }
0xf9: {  	v3 =	vand.u32 $0x7, v3;
	v4 =	vand.u32 $0xFFFFFFF0, v51  }
0xfa: {  	v3 =	vor.u32 v3, v4  }
0xfb: {  	v4 =	vperm.xlane v3, v0;
	_ =	sdelay $0x1  }
0xfc: {  	v3 =	vperm.xlane v3, v2;
	v4 =	vadd.s32 v1, v4;
	_ =	sdelay $0x1  }
0xfd: {  	s12 =	sld [smem:$0x7F5];
	v3 =	vadd.s32 v1, v3;
	_ =	sdelay $0x1  }
0xfe: {  	s13 =	sld [smem:$0x7F6]  }
0xff: {  	[tilespmem:s12], [sflag:$0x5] =	stream.indirect_vreg.gather [hbm4b:s2+s3], $0x80, v4, vm0, $0xb8;
	[tilespmem:$0x18400] =	vst v63  }
0x100: {  	_ = 	snop  }
0x101: {  	[tilespmem:s13], [sflag:$0x5] =	stream.indirect_vreg.gather [hbm4b:s2+s3], $0x80, v3, vm0, $0xb8;
	[tilespmem:$0x18400] =	vst v63  }
0x102: {  	_ =	swait.ge [sflag:s25], $0x4000  }
0x103: {  	[sflag:s25] =	ssyncset.done $0x0  }
0x104: {  	s13 =	rddreg [dreg:$0x5];
	[sflag:s25] =	ssyncadd.s32 $0xFFFFC000  }
0x105: {  	[hbm4b:s13+s3] =	stream.linear.scatter [tilespmem:s6], [sflag:$0x7], $0x4000, $0x38;
	[tilespmem:$0x18400] =	vst v63  }
0x106: {  	v3 =	vld [tilespmem:$0x280];
	_ =	sdelay $0x4  }
0x107: {  	v52 =	vshll.u32 v3, $0x1  }
0x108: {  	v3 =	vand.u32 $0x7, v3;
	v4 =	vand.u32 $0xFFFFFFF0, v52  }
0x109: {  	v3 =	vor.u32 v3, v4  }
0x10a: {  	v4 =	vperm.xlane v3, v0;
	_ =	sdelay $0x1  }
0x10b: {  	v3 =	vperm.xlane v3, v2;
	v4 =	vadd.s32 v1, v4;
	_ =	sdelay $0x1  }
0x10c: {  	v3 =	vadd.s32 v1, v3;
	_ =	sdelay $0x1  }
0x10d: {  	s13 =	sld [smem:$0x7F7]  }
0x10e: {  	[tilespmem:s9], [sflag:$0x6] =	stream.indirect_vreg.gather [hbm4b:s2+s3], $0x80, v4, vm0, $0xb8;
	[tilespmem:$0x18400] =	vst v63  }
0x10f: {  	_ = 	snop  }
0x110: {  	[tilespmem:s13], [sflag:$0x6] =	stream.indirect_vreg.gather [hbm4b:s2+s3], $0x80, v3, vm0, $0xb8;
	[tilespmem:$0x18400] =	vst v63  }
0x111: {  	v3 =	vld [tilespmem:$0x290];
	_ =	sdelay $0x4  }
0x112: {  	v53 =	vshll.u32 v3, $0x1  }
0x113: {  	v3 =	vand.u32 $0x7, v3;
	v4 =	vand.u32 $0xFFFFFFF0, v53  }
0x114: {  	v3 =	vor.u32 v3, v4  }
0x115: {  	v4 =	vperm.xlane v3, v0;
	_ =	sdelay $0x1  }
0x116: {  	v3 =	vperm.xlane v3, v2;
	v4 =	vadd.s32 v1, v4;
	_ =	sdelay $0x1  }
0x117: {  	s12 =	sld [smem:$0x7F8];
	v3 =	vadd.s32 v1, v3;
	_ =	sdelay $0x1  }
0x118: {  	s13 =	sld [smem:$0x7F9]  }
0x119: {  	[tilespmem:s12], [sflag:$0x6] =	stream.indirect_vreg.gather [hbm4b:s2+s3], $0x80, v4, vm0, $0xb8;
	[tilespmem:$0x18400] =	vst v63  }
0x11a: {  	_ = 	snop  }
0x11b: {  	[tilespmem:s13], [sflag:$0x6] =	stream.indirect_vreg.gather [hbm4b:s2+s3], $0x80, v3, vm0, $0xb8;
	[tilespmem:$0x18400] =	vst v63  }
0x11c: {  	v3 =	vld [tilespmem:$0x2A0];
	_ =	sdelay $0x4  }
0x11d: {  	v54 =	vshll.u32 v3, $0x1  }
0x11e: {  	v3 =	vand.u32 $0x7, v3;
	v4 =	vand.u32 $0xFFFFFFF0, v54  }
0x11f: {  	v3 =	vor.u32 v3, v4  }
0x120: {  	v4 =	vperm.xlane v3, v0;
	_ =	sdelay $0x1  }
0x121: {  	v3 =	vperm.xlane v3, v2;
	v4 =	vadd.s32 v1, v4;
	_ =	sdelay $0x1  }
0x122: {  	s12 =	sld [smem:$0x7FA];
	v3 =	vadd.s32 v1, v3;
	_ =	sdelay $0x1  }
0x123: {  	s13 =	sld [smem:$0x7FB]  }
0x124: {  	[tilespmem:s12], [sflag:$0x6] =	stream.indirect_vreg.gather [hbm4b:s2+s3], $0x80, v4, vm0, $0xb8;
	[tilespmem:$0x18400] =	vst v63  }
0x125: {  	_ = 	snop  }
0x126: {  	[tilespmem:s13], [sflag:$0x6] =	stream.indirect_vreg.gather [hbm4b:s2+s3], $0x80, v3, vm0, $0xb8;
	[tilespmem:$0x18400] =	vst v63  }
0x127: {  	v3 =	vld [tilespmem:$0x2B0];
	_ =	sdelay $0x4  }
0x128: {  	v55 =	vshll.u32 v3, $0x1  }
0x129: {  	v3 =	vand.u32 $0x7, v3;
	v4 =	vand.u32 $0xFFFFFFF0, v55  }
0x12a: {  	v3 =	vor.u32 v3, v4  }
0x12b: {  	v4 =	vperm.xlane v3, v0;
	_ =	sdelay $0x1  }
0x12c: {  	v3 =	vperm.xlane v3, v2;
	v4 =	vadd.s32 v1, v4;
	_ =	sdelay $0x1  }
0x12d: {  	s12 =	sld [smem:$0x7FC];
	v3 =	vadd.s32 v1, v3;
	_ =	sdelay $0x1  }
0x12e: {  	s13 =	sld [smem:$0x7FD]  }
0x12f: {  	[tilespmem:s12], [sflag:$0x6] =	stream.indirect_vreg.gather [hbm4b:s2+s3], $0x80, v4, vm0, $0xb8;
	[tilespmem:$0x18400] =	vst v63  }
0x130: {  	_ = 	snop  }
0x131: {  	[tilespmem:s13], [sflag:$0x6] =	stream.indirect_vreg.gather [hbm4b:s2+s3], $0x80, v3, vm0, $0xb8;
	[tilespmem:$0x18400] =	vst v63  }
0x132: {  	_ =	swait.ge [sflag:s28], $0x4000  }
0x133: {  	[sflag:s28] =	ssyncset.done $0x0  }
0x134: {  	s13 =	rddreg [dreg:$0x6];
	[sflag:s28] =	ssyncadd.s32 $0xFFFFC000  }
0x135: {  	[hbm4b:s13+s3] =	stream.linear.scatter [tilespmem:s14], [sflag:$0x8], $0x4000, $0x38;
	[tilespmem:$0x18400] =	vst v63  }
0x136: {  	_ =	swait.ge [sflag:s29], $0x4000  }
0x137: {  	[sflag:s29] =	ssyncset.done $0x0  }
0x138: {  	[sflag:s29] =	ssyncadd.s32 $0xFFFFC000  }
0x139: {  	v3 =	vld [tilespmem:$0x300];
	_ =	sdelay $0x4  }
0x13a: {  	v56 =	vshll.u32 v3, $0x1  }
0x13b: {  	v3 =	vand.u32 $0x7, v3;
	v4 =	vand.u32 $0xFFFFFFF0, v56  }
0x13c: {  	v3 =	vor.u32 v3, v4  }
0x13d: {  	v4 =	vperm.xlane v3, v0;
	_ =	sdelay $0x1  }
0x13e: {  	v3 =	vperm.xlane v3, v2;
	v4 =	vadd.s32 v1, v4;
	_ =	sdelay $0x1  }
0x13f: {  	v3 =	vadd.s32 v1, v3;
	_ =	sdelay $0x2  }
0x140: {  	[tilespmem:s6], [sflag:$0x1] =	stream.indirect_vreg.gather [hbm4b:s2+s3], $0x80, v4, vm0, $0xb8;
	[tilespmem:$0x18400] =	vst v63  }
0x141: {  	_ = 	snop  }
0x142: {  	[tilespmem:s15], [sflag:$0x1] =	stream.indirect_vreg.gather [hbm4b:s2+s3], $0x80, v3, vm0, $0xb8;
	[tilespmem:$0x18400] =	vst v63  }
0x143: {  	v3 =	vld [tilespmem:$0x310];
	_ =	sdelay $0x4  }
0x144: {  	v57 =	vshll.u32 v3, $0x1  }
0x145: {  	v3 =	vand.u32 $0x7, v3;
	v4 =	vand.u32 $0xFFFFFFF0, v57  }
0x146: {  	v3 =	vor.u32 v3, v4  }
0x147: {  	v4 =	vperm.xlane v3, v0;
	_ =	sdelay $0x1  }
0x148: {  	v3 =	vperm.xlane v3, v2;
	v4 =	vadd.s32 v1, v4;
	_ =	sdelay $0x1  }
0x149: {  	v3 =	vadd.s32 v1, v3;
	_ =	sdelay $0x2  }
0x14a: {  	[tilespmem:s16], [sflag:$0x1] =	stream.indirect_vreg.gather [hbm4b:s2+s3], $0x80, v4, vm0, $0xb8;
	[tilespmem:$0x18400] =	vst v63  }
0x14b: {  	_ = 	snop  }
0x14c: {  	[tilespmem:s17], [sflag:$0x1] =	stream.indirect_vreg.gather [hbm4b:s2+s3], $0x80, v3, vm0, $0xb8;
	[tilespmem:$0x18400] =	vst v63  }
0x14d: {  	v3 =	vld [tilespmem:$0x320];
	_ =	sdelay $0x4  }
0x14e: {  	v58 =	vshll.u32 v3, $0x1  }
0x14f: {  	v3 =	vand.u32 $0x7, v3;
	v4 =	vand.u32 $0xFFFFFFF0, v58  }
0x150: {  	v3 =	vor.u32 v3, v4  }
0x151: {  	v4 =	vperm.xlane v3, v0;
	_ =	sdelay $0x1  }
0x152: {  	v3 =	vperm.xlane v3, v2;
	v4 =	vadd.s32 v1, v4;
	_ =	sdelay $0x1  }
0x153: {  	v3 =	vadd.s32 v1, v3;
	_ =	sdelay $0x2  }
0x154: {  	[tilespmem:s18], [sflag:$0x1] =	stream.indirect_vreg.gather [hbm4b:s2+s3], $0x80, v4, vm0, $0xb8;
	[tilespmem:$0x18400] =	vst v63  }
0x155: {  	_ = 	snop  }
0x156: {  	[tilespmem:s19], [sflag:$0x1] =	stream.indirect_vreg.gather [hbm4b:s2+s3], $0x80, v3, vm0, $0xb8;
	[tilespmem:$0x18400] =	vst v63  }
0x157: {  	v3 =	vld [tilespmem:$0x330];
	_ =	sdelay $0x4  }
0x158: {  	v59 =	vshll.u32 v3, $0x1  }
0x159: {  	v3 =	vand.u32 $0x7, v3;
	v4 =	vand.u32 $0xFFFFFFF0, v59  }
0x15a: {  	v3 =	vor.u32 v3, v4  }
0x15b: {  	v4 =	vperm.xlane v3, v0;
	_ =	sdelay $0x1  }
0x15c: {  	v3 =	vperm.xlane v3, v2;
	v4 =	vadd.s32 v1, v4;
	_ =	sdelay $0x1  }
0x15d: {  	v3 =	vadd.s32 v1, v3;
	_ =	sdelay $0x2  }
0x15e: {  	[tilespmem:s20], [sflag:$0x1] =	stream.indirect_vreg.gather [hbm4b:s2+s3], $0x80, v4, vm0, $0xb8;
	[tilespmem:$0x18400] =	vst v63  }
0x15f: {  	s13 =	simm.s32 $0x3  }
0x160: {  	[tilespmem:s21], [sflag:$0x1] =	stream.indirect_vreg.gather [hbm4b:s2+s3], $0x80, v3, vm0, $0xb8;
	[tilespmem:$0x18400] =	vst v63  }
0x161: {  	_ =	swait.ge [sflag:s13], $0x4000  }
0x162: {  	[sflag:s13] =	ssyncset.done $0x0  }
0x163: {  	s12 =	rddreg [dreg:$0x7];
	[sflag:s13] =	ssyncadd.s32 $0xFFFFC000  }
0x164: {  	[hbm4b:s12+s3] =	stream.linear.scatter [tilespmem:s0], [sflag:$0x9], $0x4000, $0x38;
	[tilespmem:$0x18400] =	vst v63  }
0x165: {  	_ =	swait.ge [sflag:s31], $0x4000  }
0x166: {  	[sflag:s31] =	ssyncset.done $0x0  }
0x167: {  	[sflag:s31] =	ssyncadd.s32 $0xFFFFC000  }
0x168: {  	v3 =	vld [tilespmem:$0x380];
	_ =	sdelay $0x4  }
0x169: {  	v60 =	vshll.u32 v3, $0x1  }
0x16a: {  	v3 =	vand.u32 $0x7, v3;
	v4 =	vand.u32 $0xFFFFFFF0, v60  }
0x16b: {  	v3 =	vor.u32 v3, v4  }
0x16c: {  	v4 =	vperm.xlane v3, v0;
	_ =	sdelay $0x1  }
0x16d: {  	v3 =	vperm.xlane v3, v2;
	v4 =	vadd.s32 v1, v4;
	_ =	sdelay $0x1  }
0x16e: {  	v3 =	vadd.s32 v1, v3;
	_ =	sdelay $0x2  }
0x16f: {  	[tilespmem:s14], [sflag:$0x2] =	stream.indirect_vreg.gather [hbm4b:s2+s3], $0x80, v4, vm0, $0xb8;
	[tilespmem:$0x18400] =	vst v63  }
0x170: {  	_ = 	snop  }
0x171: {  	[tilespmem:s22], [sflag:$0x2] =	stream.indirect_vreg.gather [hbm4b:s2+s3], $0x80, v3, vm0, $0xb8;
	[tilespmem:$0x18400] =	vst v63  }
0x172: {  	v3 =	vld [tilespmem:$0x390];
	_ =	sdelay $0x4  }
0x173: {  	v61 =	vshll.u32 v3, $0x1  }
0x174: {  	v3 =	vand.u32 $0x7, v3;
	v4 =	vand.u32 $0xFFFFFFF0, v61  }
0x175: {  	v3 =	vor.u32 v3, v4  }
0x176: {  	v4 =	vperm.xlane v3, v0;
	_ =	sdelay $0x1  }
0x177: {  	v3 =	vperm.xlane v3, v2;
	v4 =	vadd.s32 v1, v4;
	_ =	sdelay $0x1  }
0x178: {  	v3 =	vadd.s32 v1, v3;
	_ =	sdelay $0x2  }
0x179: {  	[tilespmem:s23], [sflag:$0x2] =	stream.indirect_vreg.gather [hbm4b:s2+s3], $0x80, v4, vm0, $0xb8;
	[tilespmem:$0x18400] =	vst v63  }
0x17a: {  	_ = 	snop  }
0x17b: {  	[tilespmem:s24], [sflag:$0x2] =	stream.indirect_vreg.gather [hbm4b:s2+s3], $0x80, v3, vm0, $0xb8;
	[tilespmem:$0x18400] =	vst v63  }
0x17c: {  	v3 =	vld [tilespmem:$0x3A0];
	_ =	sdelay $0x4  }
0x17d: {  	v62 =	vshll.u32 v3, $0x1  }
0x17e: {  	v3 =	vand.u32 $0x7, v3;
	v4 =	vand.u32 $0xFFFFFFF0, v62  }
0x17f: {  	v3 =	vor.u32 v3, v4  }
0x180: {  	v4 =	vperm.xlane v3, v0;
	_ =	sdelay $0x1  }
0x181: {  	v3 =	vperm.xlane v3, v2;
	v4 =	vadd.s32 v1, v4;
	_ =	sdelay $0x1  }
0x182: {  	v3 =	vadd.s32 v1, v3;
	_ =	sdelay $0x2  }
0x183: {  	[tilespmem:s26], [sflag:$0x2] =	stream.indirect_vreg.gather [hbm4b:s2+s3], $0x80, v4, vm0, $0xb8;
	[tilespmem:$0x18400] =	vst v63  }
0x184: {  	_ = 	snop  }
0x185: {  	[tilespmem:s5], [sflag:$0x2] =	stream.indirect_vreg.gather [hbm4b:s2+s3], $0x80, v3, vm0, $0xb8;
	[tilespmem:$0x18400] =	vst v63  }
0x186: {  	v3 =	vld [tilespmem:$0x3B0];
	_ =	sdelay $0x4  }
0x187: {  	v63 =	vshll.u32 v3, $0x1  }
0x188: {  	v3 =	vand.u32 $0x7, v3;
	v4 =	vand.u32 $0xFFFFFFF0, v63  }
0x189: {  	v3 =	vor.u32 v3, v4  }
0x18a: {  	v4 =	vperm.xlane v3, v0;
	_ =	sdelay $0x1  }
0x18b: {  	v3 =	vperm.xlane v3, v2;
	v4 =	vadd.s32 v1, v4;
	_ =	sdelay $0x1  }
0x18c: {  	v3 =	vadd.s32 v1, v3;
	_ =	sdelay $0x2  }
0x18d: {  	[tilespmem:s30], [sflag:$0x2] =	stream.indirect_vreg.gather [hbm4b:s2+s3], $0x80, v4, vm0, $0xb8;
	[tilespmem:$0x18400] =	vst v63  }
0x18e: {  	s13 =	simm.s32 $0x4  }
0x18f: {  	[tilespmem:s1], [sflag:$0x2] =	stream.indirect_vreg.gather [hbm4b:s2+s3], $0x80, v3, vm0, $0xb8;
	[tilespmem:$0x18400] =	vst v63  }
0x190: {  	_ =	swait.ge [sflag:s13], $0x4000  }
0x191: {  	[sflag:s13] =	ssyncset.done $0x0  }
0x192: {  	s5 =	rddreg [dreg:$0x8];
	[sflag:s13] =	ssyncadd.s32 $0xFFFFC000;
	s13 =	simm.s32 $0x5  }
0x193: {  	[hbm4b:s5+s3] =	stream.linear.scatter [tilespmem:s7], [sflag:$0xA], $0x4000, $0x38;
	[tilespmem:$0x18400] =	vst v63  }
0x194: {  	_ =	swait.ge [sflag:s13], $0x4000  }
0x195: {  	[sflag:s13] =	ssyncset.done $0x0  }
0x196: {  	s12 =	simm.s32 $0x6;
	s5 =	rddreg [dreg:$0x9];
	[sflag:s13] =	ssyncadd.s32 $0xFFFFC000  }
0x197: {  	[hbm4b:s5+s3] =	stream.linear.scatter [tilespmem:s8], [sflag:$0xB], $0x4000, $0x38;
	[tilespmem:$0x18400] =	vst v63  }
0x198: {  	_ =	swait.ge [sflag:s12], $0x4000  }
0x199: {  	[sflag:s12] =	ssyncset.done $0x0  }
0x19a: {  	s13 =	rddreg [dreg:$0xa];
	[sflag:s12] =	ssyncadd.s32 $0xFFFFC000  }
0x19b: {  	[hbm4b:s13+s3] =	stream.linear.scatter [tilespmem:s9], [sflag:$0xC], $0x4000, $0x38;
	[tilespmem:$0x18400] =	vst v63  }
0x19c: {  	_ =	swait.ge [sflag:s25], $0x4000  }
0x19d: {  	[sflag:s25] =	ssyncset.done $0x0  }
0x19e: {  	s0 =	rddreg [dreg:$0xb];
	[sflag:s25] =	ssyncadd.s32 $0xFFFFC000  }
0x19f: {  	[hbm4b:s0+s3] =	stream.linear.scatter [tilespmem:s6], [sflag:$0x7], $0x4000, $0x38;
	[tilespmem:$0x18400] =	vst v63  }
0x1a0: {  	_ =	swait.ge [sflag:s28], $0x4000  }
0x1a1: {  	[sflag:s28] =	ssyncset.done $0x0  }
0x1a2: {  	s12 =	simm.s32 $0x9;
	s5 =	rddreg [dreg:$0xc];
	[sflag:s28] =	ssyncadd.s32 $0xFFFFC000  }
0x1a3: {  	[hbm4b:s5+s3] =	stream.linear.scatter [tilespmem:s14], [sflag:$0x8], $0x4000, $0x38;
	[tilespmem:$0x18400] =	vst v63  }
0x1a4: {  	_ =	swait.ge [sflag:s12], $0x4000  }
0x1a5: {  	[sflag:s12] =	ssyncset.done $0x0  }
0x1a6: {  	s13 =	simm.s32 $0xA;
	[sflag:s12] =	ssyncadd.s32 $0xFFFFC000  }
0x1a7: {  	_ =	swait.ge [sflag:s13], $0x4000  }
0x1a8: {  	[sflag:s13] =	ssyncset.done $0x0  }
0x1a9: {  	[sflag:s13] =	ssyncadd.s32 $0xFFFFC000  }
0x1aa: {  	_ =	swait.ge [sflag:s10], $0x4000  }
0x1ab: {  	[sflag:s10] =	ssyncset.done $0x0  }
0x1ac: {  	[sflag:s10] =	ssyncadd.s32 $0xFFFFC000  }
0x1ad: {  	_ =	swait.ge [sflag:s11], $0x4000  }
0x1ae: {  	[sflag:s11] =	ssyncset.done $0x0  }
0x1af: {  	[sflag:s11] =	ssyncadd.s32 $0xFFFFC000  }
0x1b0: {  	p0 =	sne.s32 s4, $0x1;
	_ =	swait.ge [sflag:s29], $0x4000  }
.Ltmp0:
0x1b1: {  	[sflag:s29] =	ssyncset.done $0x0;
	(pc) =	sbr.rel @p0 .LBB2_1-.Ltmp0, $4  }
0x1b2: {  	[sflag:s29] =	ssyncadd.s32 $0xFFFFC000  }
0x1b3: {  	_ =	swait.ge [sflag:s31], $0x4000  }
0x1b4: {  	[sflag:s31] =	ssyncset.done $0x0  }
0x1b5: {  	s4 =	sadd.s32 $0xFFFFFFFF, s4;
	[sflag:s31] =	ssyncadd.s32 $0xFFFFC000  }
0x1b6: {  	_ =	sfence.sel $0x180000  }
0x1b7: {  	[bflag:$0x0] =	sbarrier.arrive $0xFFFF  }
0x1b8: {  	_ =	strace $0x90000047  }
0x1b9: {  	s0 =	stileid.u32;
	[bflag:$0x2] =	sbarrier.arrive $0xFFFF  }
0x1ba: {  	p0 =	sne.s32 s0, $0x0;
	s0 =	rddreg [dreg:$0x3]  }
0x1bb: {  	s0 =	sadd.s32 @!p0 $0x100000, s0  }
0x1bc: {  	[sflag:s0] =	ssyncadd.tile.s32 @!p0 $0x1;
	_ =	shalt  }
.Lfunc_end2:
_tile_overlayer_lowered:
.L_overlay_start_2:
0x1bd: {  	(tag) =	ssettag $0x2  }
0x1be: {  	s0 =	rddreg [dreg:$0x0];
	s2 =	stileid.u32  }
0x1bf: {  	s1 =	rddreg [dreg:$0x1];
	p0 =	sne.s32 s2, $0x0  }
0x1c0: {  	s3 =	rddreg [dreg:$0x2];
	[bflag:$0x3] =	sbarrier.arrive $0xFFFF;
	s2 =	simm.s32 @!p0 $0x1C0D  }
0x1c1: {  	[timem:s3], [sflag:s2] =	dma.local @!p0 [hbm:s0], s1  }
0x1c2: {  	s0 =	simm.s32 @!p0 $0xD  }
0x1c3: {  	_ =	swait.ge @!p0 [sflag:s0], s1  }
0x1c4: {  	s1 =	ssub.s32 @!p0 $0x0, s1;
	[sflag:s0] =	ssyncset.done @!p0 $0x0  }
0x1c5: {  	[sflag:s0] =	ssyncadd.s32 @!p0 s1  }
0x1c6: {  	[bflag:$0x3] =	sbarrier.arrive $0xFFFF  }
0x1c7: {  	_ =	shalt  }

</sc_bundles>
